<compile_context>
chip_gen: v7x
topology: tpu7x:2x2x1
jax: 0.10.2.dev20260603
libtpu: 0.0.44.dev20260713+nightly
codegen_flags: <defaults>
</compile_context>

<pallas_src>
import functools

import jax
import jax.numpy as jnp
from jax import lax
from jax.experimental import pallas as pl
from jax.experimental.pallas import tpu as pltpu
from jax.experimental.pallas import tpu_sc as plsc

N = 10000
D = 128
E = 320000
NC = 2
NS = 16
NW = NC * NS
EPW = E // NW
CH = 128
NCHT = E // CH
NCHW = NCHT // NW
NEXTRA = NCHT - NCHW * NW
NPAD = 10240
RPW = NPAD // NS
ZROWS = 40
CPROWS = 160


def _tc_pre_body(x_ref, c_ref, o_ref):
    x = x_ref[...]
    cs = jnp.sqrt(jnp.abs(c_ref[...]))
    xn = jnp.sqrt(jnp.sum(x * x, axis=1, keepdims=True))
    xn = jnp.maximum(xn, 1e-15)
    y = jnp.clip(cs * xn, -1.0 + 1e-7, 1.0 - 1e-7)
    at = 0.5 * jnp.log((1.0 + y) / (1.0 - y))
    o_ref[...] = at * x / (cs * xn)


def _tc_pre(x, c_param):
    br = 1000
    return pl.pallas_call(
        _tc_pre_body,
        grid=(N // br,),
        in_specs=[
            pl.BlockSpec((br, D), lambda i: (i, 0)),
            pl.BlockSpec((1,), lambda i: (0,)),
        ],
        out_specs=pl.BlockSpec((br, D), lambda i: (i, 0)),
        out_shape=jax.ShapeDtypeStruct((N, D), jnp.float32),
    )(x, c_param)


def _sc_agg_body(tang_hbm, edge_hbm, out_hbm, deg_hbm,
                 idxb, rowsb, zero_v, hist_v, acc_sh,
                 isems, gsems, ssems, zsem):
    cid = lax.axis_index("c")
    sid = lax.axis_index("s")
    wid = cid * NS + sid
    row0 = sid * RPW
    c0 = wid * NCHW

    def idxcopy(k, ib):
        off = pl.multiple_of((c0 + k) * CH, CH)
        return pltpu.make_async_copy(edge_hbm.at[:, pl.ds(off, CH)],
                                     idxb[ib], isems[ib])

    def gather(ib, b):
        return pltpu.make_async_copy(tang_hbm.at[idxb[ib].at[0]],
                                     rowsb[b], gsems[b])

    def scatter(ib, b):
        return pltpu.make_async_copy(rowsb[b], acc_sh.at[idxb[ib].at[1]],
                                     ssems[b])

    idxcopy(0, 0).start()
    idxcopy(1, 1).start()
    idxcopy(0, 0).wait()
    gather(0, 0).start()

    def zbody(i, _):
        r = i // (D // 16)
        c0 = (i % (D // 16)) * 16
        zero_v[r, pl.ds(c0, 16)] = jnp.zeros((16,), jnp.float32)
        return 0
    lax.fori_loop(0, ZROWS * (D // 16), zbody, 0)

    def zfire(k, _):
        pltpu.async_copy(zero_v, acc_sh.at[pl.ds(row0 + k * ZROWS, ZROWS)],
                         zsem)
        return 0
    lax.fori_loop(0, RPW // ZROWS, zfire, 0)

    def hzero(i, _):
        hist_v[pl.ds(i * 16, 16)] = jnp.zeros((16,), jnp.float32)
        return 0
    lax.fori_loop(0, NPAD // 16, hzero, 0)

    def zdrain(k, _):
        pltpu.make_async_copy(
            zero_v, acc_sh.at[pl.ds(row0 + k * ZROWS, ZROWS)], zsem).wait()
        return 0
    lax.fori_loop(0, RPW // ZROWS, zdrain, 0)

    plsc.subcore_barrier()

    ones16 = jnp.ones((16,), jnp.float32)

    def hist(ib):
        for j in range(CH // 16):
            dv = idxb[ib][1, pl.ds(j * 16, 16)]
            plsc.addupdate_scatter(hist_v, [dv], ones16)

    def step(k, j):
        ib, b = j, j % 2

        @pl.when(k >= 1)
        def _():
            scatter((j + 3) % 4, (j + 1) % 2).wait()

        @pl.when(k + 1 < NCHW)
        def _():
            idxcopy(k + 1, (j + 1) % 4).wait()
            gather((j + 1) % 4, (j + 1) % 2).start()

        gather(ib, b).wait()
        scatter(ib, b).start(add=True)
        hist(ib)

        @pl.when(k + 2 < NCHW)
        def _():
            idxcopy(k + 2, (j + 2) % 4).start()

    def mbody(kk, _):
        for j in range(4):
            step(4 * kk + j, j)
        return 0
    lax.fori_loop(0, NCHW // 4, mbody, 0)
    step(NCHW - 2, (NCHW - 2) % 4)
    step(NCHW - 1, (NCHW - 1) % 4)

    scatter((NCHW - 1) % 4, (NCHW - 1) % 2).wait()

    @pl.when(wid < NEXTRA)
    def _():
        ke = NW * NCHW + wid - c0
        idxcopy(ke, 0).start()
        idxcopy(ke, 0).wait()
        gather(0, 0).start()
        gather(0, 0).wait()
        scatter(0, 0).start(add=True)
        hist(0)
        scatter(0, 0).wait()

    pltpu.sync_copy(hist_v, deg_hbm.at[wid])

    plsc.subcore_barrier()

    def ofire(k, _):
        r = row0 + k * CPROWS
        pltpu.async_copy(acc_sh.at[pl.ds(r, CPROWS)],
                         out_hbm.at[cid, pl.ds(r, CPROWS)], zsem)
        return 0
    lax.fori_loop(0, RPW // CPROWS, ofire, 0)

    def odrain(k, _):
        r = row0 + k * CPROWS
        pltpu.make_async_copy(acc_sh.at[pl.ds(r, CPROWS)],
                              out_hbm.at[cid, pl.ds(r, CPROWS)], zsem).wait()
        return 0
    lax.fori_loop(0, RPW // CPROWS, odrain, 0)


def _sc_agg(tangent, edge_index):
    mesh = plsc.VectorSubcoreMesh(core_axis_name="c", subcore_axis_name="s")
    f = functools.partial(
        pl.kernel,
        out_type=(
            jax.ShapeDtypeStruct((NC, NPAD, D), jnp.float32),
            jax.ShapeDtypeStruct((NW, NPAD), jnp.float32),
        ),
        mesh=mesh,
        scratch_types=[
            [pltpu.VMEM((2, CH), jnp.int32) for _ in range(4)],
            [pltpu.VMEM((CH, D), jnp.float32) for _ in range(2)],
            pltpu.VMEM((ZROWS, D), jnp.float32),
            pltpu.VMEM((NPAD,), jnp.float32),
            pltpu.VMEM_SHARED((NPAD, D), jnp.float32),
            [pltpu.SemaphoreType.DMA for _ in range(4)],
            [pltpu.SemaphoreType.DMA for _ in range(2)],
            [pltpu.SemaphoreType.DMA for _ in range(2)],
            pltpu.SemaphoreType.DMA,
        ],
        compiler_params=pltpu.CompilerParams(needs_layout_passes=False),
    )(_sc_agg_body)
    return f(tangent, edge_index)


def _tc_post_body(p_ref, deg_ref, w_ref, b_ref, c_ref, o_ref):
    agg_t = p_ref[0] + p_ref[1]
    ones = jnp.ones((NW, 1), jnp.float32)
    deg = lax.dot_general(
        deg_ref[...], ones,
        dimension_numbers=(((0,), (0,)), ((), ())),
        preferred_element_type=jnp.float32,
        precision=lax.Precision.HIGHEST,
    )
    agg = lax.dot_general(
        agg_t, w_ref[...],
        dimension_numbers=(((1,), (1,)), ((), ())),
        preferred_element_type=jnp.float32,
        precision=lax.Precision.HIGHEST,
    ) + deg * b_ref[...].reshape(1, D)
    neigh = agg / jnp.maximum(deg, 1.0)
    vn = jnp.sqrt(jnp.sum(neigh * neigh, axis=1, keepdims=True))
    vn = jnp.maximum(vn, 1e-15)
    cs = jnp.sqrt(jnp.abs(c_ref[...]))
    arg = cs * vn
    o_ref[...] = jnp.tanh(arg) * neigh / arg


def _tc_post(partials, degs, W, b, c_param):
    br = 1024
    return pl.pallas_call(
        _tc_post_body,
        grid=(NPAD // br,),
        in_specs=[
            pl.BlockSpec((NC, br, D), lambda i: (0, i, 0)),
            pl.BlockSpec((NW, br), lambda i: (0, i)),
            pl.BlockSpec((D, D), lambda i: (0, 0)),
            pl.BlockSpec((D,), lambda i: (0,)),
            pl.BlockSpec((1,), lambda i: (0,)),
        ],
        out_specs=pl.BlockSpec((br, D), lambda i: (i, 0)),
        out_shape=jax.ShapeDtypeStruct((N, D), jnp.float32),
    )(partials, degs, W, b, c_param)


def kernel(x, edge_index, W, b, c_param):
    tangent = _tc_pre(x, c_param)
    partials, degs = _sc_agg(tangent, edge_index)
    return _tc_post(partials, degs, W, b, c_param)

# --- scband reference (transcript-rebuilt; emitter-appended) ---
"""Pipeline reference for scband-htgn-30124900614687 (READ-ONLY COPY).

The authoritative reference and input builder live on the scoring server;
editing this copy changes nothing except your own understanding.
"""

import jax, jax.numpy as jnp
import numpy as np

N = 10000
D = 128
E = 320000


def _artanh(y):
    y = jnp.clip(y, -1.0 + 1e-7, 1.0 - 1e-7)
    return jnp.arctanh(y)


def setup_inputs(seed: int = 0) -> dict:
    key = jax.random.key(seed)
    k1, k2, k3, k4 = jax.random.split(key, 4)
    # node embeddings: learned parameter; scaled small so points lie inside the Poincare ball
    x = jax.random.normal(k1, (N, D), dtype=jnp.float32) * 0.05
    edge_index = jax.random.randint(k2, (2, E), 0, N, dtype=jnp.int32)
    W = jax.random.normal(k3, (D, D), dtype=jnp.float32) * (1.0 / np.sqrt(D))
    b = jax.random.normal(k4, (D,), dtype=jnp.float32) * 0.01
    c_param = jnp.array([-1.0], dtype=jnp.float32)
    return {"x": x, "edge_index": edge_index, "W": W, "b": b, "c_param": c_param}


def reference(x, edge_index, W, b, c_param):
    # HTGN first-snapshot forward (history empty -> updated_emb = hgnn output).
    c = jnp.abs(c_param)[0]
    sqrt_c = jnp.sqrt(c)
    # Poincare logmap at origin: artanh(sqrt(c)*||x||) * x / (sqrt(c)*||x||)
    xn = jnp.linalg.norm(x, axis=-1, keepdims=True)
    xn = jnp.maximum(xn, 1e-15)
    tangent = _artanh(sqrt_c * xn) * x / (sqrt_c * xn)
    # Linear layer in tangent space
    h = tangent @ W.T + b
    # DGL copy_u + mean reduce: mean of source messages per destination node
    src = edge_index[0]
    dst = edge_index[1]
    msg = jnp.take(h, src, axis=0)
    agg = jax.ops.segment_sum(msg, dst, num_segments=N)
    deg = jax.ops.segment_sum(jnp.ones((E, 1), dtype=h.dtype), dst, num_segments=N)
    neigh = agg / jnp.maximum(deg, 1.0)
    # Poincare expmap at origin: tanh(sqrt(c)*||v||) * v / (sqrt(c)*||v||)
    vn = jnp.linalg.norm(neigh, axis=-1, keepdims=True)
    vn = jnp.maximum(vn, 1e-15)
    new_x = jnp.tanh(sqrt_c * vn) * neigh / (sqrt_c * vn)
    return new_x

if __name__ == "__main__":
    import jax
    _d = setup_inputs()
    print(jax.jit(kernel)(*tuple(_d.values())))

</pallas_src>

<mosaic_0001>
#map = affine_map<(d0, d1) -> (0, 0)>
#map1 = affine_map<(d0, d1) -> (0, 0, 0)>
module attributes {stable_mosaic.version = 14 : i64} {
  func.func @_sc_agg_body(%arg0: i32, %arg1: i32, %arg2: memref<10000x128xf32, #tpu.memory_space<hbm>>, %arg3: memref<2x320000xi32, #tpu.memory_space<hbm>>, %arg4: memref<2x10240x128xf32, #tpu.memory_space<hbm>>, %arg5: memref<32x10240xf32, #tpu.memory_space<hbm>>, %arg6: memref<2x128xi32, #tpu.memory_space<vmem>>, %arg7: memref<2x128xi32, #tpu.memory_space<vmem>>, %arg8: memref<2x128xi32, #tpu.memory_space<vmem>>, %arg9: memref<2x128xi32, #tpu.memory_space<vmem>>, %arg10: memref<128x128xf32, #tpu.memory_space<vmem>>, %arg11: memref<128x128xf32, #tpu.memory_space<vmem>>, %arg12: memref<40x128xf32, #tpu.memory_space<vmem>>, %arg13: memref<10240xf32, #tpu.memory_space<vmem>>, %arg14: memref<10240x128xf32, #tpu.memory_space<vmem_shared>>, %arg15: memref<!tpu.dma_semaphore, #tpu.memory_space<semaphore_mem>>, %arg16: memref<!tpu.dma_semaphore, #tpu.memory_space<semaphore_mem>>, %arg17: memref<!tpu.dma_semaphore, #tpu.memory_space<semaphore_mem>>, %arg18: memref<!tpu.dma_semaphore, #tpu.memory_space<semaphore_mem>>, %arg19: memref<!tpu.dma_semaphore, #tpu.memory_space<semaphore_mem>>, %arg20: memref<!tpu.dma_semaphore, #tpu.memory_space<semaphore_mem>>, %arg21: memref<!tpu.dma_semaphore, #tpu.memory_space<semaphore_mem>>, %arg22: memref<!tpu.dma_semaphore, #tpu.memory_space<semaphore_mem>>, %arg23: memref<!tpu.dma_semaphore, #tpu.memory_space<semaphore_mem>>) attributes {dimension_semantics = [#tpu.dimension_semantics<core_parallel>, #tpu.dimension_semantics<subcore_parallel>], iteration_bounds = array<i64: 2, 16>, scalar_prefetch = 0 : i64, scratch_operands = 18 : i64, tpu.core_type = #tpu.core_type<sc_vector_subcore>, window_params = [{transform_indices = #map}, {transform_indices = #map}, {transform_indices = #map1}, {transform_indices = #map}]} {
    %mul3A = arith.constant 16 : i32
    %mul3A_0 = arith.muli %arg0, %mul3A : i32
    %add3A = arith.addi %mul3A_0, %arg1 : i32
    %mul3A_1 = arith.constant 640 : i32
    %mul3A_2 = arith.muli %arg1, %mul3A_1 : i32
    %mul3A_3 = arith.constant 78 : i32
    %mul3A_4 = arith.muli %add3A, %mul3A_3 : i32
    %add3A_5 = arith.constant 0 : i32
    %add3A_6 = arith.addi %mul3A_4, %add3A_5 : i32
    %mul3A_7 = arith.constant 128 : i32
    %mul3A_8 = arith.muli %add3A_6, %mul3A_7 : i32
    %multiple_of3A = tpu.assume_multiple %mul3A_8, 128 : i32
    %dma_start3A = arith.constant 0 : i32
    %dma_start3A_9 = tpu.memref_slice %arg3[%dma_start3A, %multiple_of3A] : memref<2x320000xi32, #tpu.memory_space<hbm>> -> memref<2x128xi32, #tpu.memory_space<hbm>>
    %dma_start3A_10 = arith.constant 0 : i32
    %dma_start3A_11 = tpu.memref_slice %arg3[%dma_start3A_10, %multiple_of3A] : memref<2x320000xi32, #tpu.memory_space<hbm>> -> memref<2x128xi32, #tpu.memory_space<hbm>>
    tpu.enqueue_dma source(%dma_start3A_11 : memref<2x128xi32, #tpu.memory_space<hbm>>) target(%arg6 : memref<2x128xi32, #tpu.memory_space<vmem>>) target_semaphore(%arg15 : memref<!tpu.dma_semaphore, #tpu.memory_space<semaphore_mem>>)
    %add3A_12 = arith.constant 1 : i32
    %add3A_13 = arith.addi %mul3A_4, %add3A_12 : i32
    %mul3A_14 = arith.constant 128 : i32
    %mul3A_15 = arith.muli %add3A_13, %mul3A_14 : i32
    %multiple_of3A_16 = tpu.assume_multiple %mul3A_15, 128 : i32
    %dma_start3A_17 = arith.constant 0 : i32
    %dma_start3A_18 = tpu.memref_slice %arg3[%dma_start3A_17, %multiple_of3A_16] : memref<2x320000xi32, #tpu.memory_space<hbm>> -> memref<2x128xi32, #tpu.memory_space<hbm>>
    %dma_start3A_19 = arith.constant 0 : i32
    %dma_start3A_20 = tpu.memref_slice %arg3[%dma_start3A_19, %multiple_of3A_16] : memref<2x320000xi32, #tpu.memory_space<hbm>> -> memref<2x128xi32, #tpu.memory_space<hbm>>
    tpu.enqueue_dma source(%dma_start3A_20 : memref<2x128xi32, #tpu.memory_space<hbm>>) target(%arg7 : memref<2x128xi32, #tpu.memory_space<vmem>>) target_semaphore(%arg16 : memref<!tpu.dma_semaphore, #tpu.memory_space<semaphore_mem>>)
    %add3A_21 = arith.constant 0 : i32
    %add3A_22 = arith.addi %mul3A_4, %add3A_21 : i32
    %mul3A_23 = arith.constant 128 : i32
    %mul3A_24 = arith.muli %add3A_22, %mul3A_23 : i32
    %multiple_of3A_25 = tpu.assume_multiple %mul3A_24, 128 : i32
    %dma_wait3A = arith.constant 0 : i32
    %dma_wait3A_26 = tpu.memref_slice %arg3[%dma_wait3A, %multiple_of3A_25] : memref<2x320000xi32, #tpu.memory_space<hbm>> -> memref<2x128xi32, #tpu.memory_space<hbm>>
    %dma_wait3A_27 = arith.constant 0 : i32
    %dma_wait3A_28 = tpu.memref_slice %arg3[%dma_wait3A_27, %multiple_of3A_25] : memref<2x320000xi32, #tpu.memory_space<hbm>> -> memref<2x128xi32, #tpu.memory_space<hbm>>
    tpu.wait_dma2 semaphore(%arg15 : memref<!tpu.dma_semaphore, #tpu.memory_space<semaphore_mem>>) src(%dma_wait3A_28 : memref<2x128xi32, #tpu.memory_space<hbm>>) dst(%arg6 : memref<2x128xi32, #tpu.memory_space<vmem>>)
    %dma_start3A_29 = arith.constant 0 : i32
    %dma_start3A_30 = arith.constant 0 : i32
    %dma_start3A_31 = tpu.memref_slice %arg6[%dma_start3A_29, %dma_start3A_30] : memref<2x128xi32, #tpu.memory_space<vmem>> -> memref<1x128xi32, #tpu.memory_space<vmem>>
    %dma_start3A_32 = tpu.memref_squeeze %dma_start3A_31 : memref<1x128xi32, #tpu.memory_space<vmem>> -> memref<128xi32, #tpu.memory_space<vmem>>
    %dma_start3A_33 = arith.constant 0 : i32
    %dma_start3A_34 = arith.constant 0 : i32
    %dma_start3A_35 = tpu.memref_slice %arg2[%dma_start3A_33, %dma_start3A_34] : memref<10000x128xf32, #tpu.memory_space<hbm>> -> memref<10000x128xf32, #tpu.memory_space<hbm>>
    tpu.enqueue_indirect_dma source(%dma_start3A_35 : memref<10000x128xf32, #tpu.memory_space<hbm>>) target(%arg10 : memref<128x128xf32, #tpu.memory_space<vmem>>) offsets(%dma_start3A_32 : memref<128xi32, #tpu.memory_space<vmem>>) semaphore(%arg19 : memref<!tpu.dma_semaphore, #tpu.memory_space<semaphore_mem>>)
    %scan3A = arith.constant 0 : i32
    %scan3A_36 = arith.constant 0 : i32
    %scan3A_37 = arith.constant 320 : i32
    %scan3A_38 = arith.addi %scan3A_36, %scan3A_37 : i32
    %scan3A_39 = arith.constant 1 : i32
    %scan3A_40 = scf.for %scan3A_216 = %scan3A_36 to %scan3A_38 step %scan3A_39 iter_args(%scan3A_217 = %scan3A) -> (i32)  : i32 {
      %jit3A = arith.constant 8 : i32
      %div3A = arith.divsi %scan3A_216, %jit3A : i32
      %sign3A = arith.constant 0 : i32
      %sign3A_218 = arith.cmpi sgt, %scan3A_216, %sign3A : i32
      %sign3A_219 = arith.extui %sign3A_218 : i1 to i32
      %sign3A_220 = arith.constant 0 : i32
      %sign3A_221 = arith.cmpi slt, %scan3A_216, %sign3A_220 : i32
      %sign3A_222 = arith.extui %sign3A_221 : i1 to i32
      %sign3A_223 = arith.subi %sign3A_219, %sign3A_222 : i32
      %sign3A_224 = arith.constant 0 : i32
      %sign3A_225 = arith.cmpi sgt, %jit3A, %sign3A_224 : i32
      %sign3A_226 = arith.extui %sign3A_225 : i1 to i32
      %sign3A_227 = arith.constant 0 : i32
      %sign3A_228 = arith.cmpi slt, %jit3A, %sign3A_227 : i32
      %sign3A_229 = arith.extui %sign3A_228 : i1 to i32
      %sign3A_230 = arith.subi %sign3A_226, %sign3A_229 : i32
      %ne3A = arith.cmpi ne, %sign3A_223, %sign3A_230 : i32
      %rem3A = arith.remsi %scan3A_216, %jit3A : i32
      %ne3A_231 = arith.constant 0 : i32
      %ne3A_232 = arith.cmpi ne, %rem3A, %ne3A_231 : i32
      %and3A = arith.andi %ne3A, %ne3A_232 : i1
      %sub3A = arith.constant 1 : i32
      %sub3A_233 = arith.subi %div3A, %sub3A : i32
      %select_n3A = arith.select %and3A, %sub3A_233, %div3A : i32
      %jit3A_234 = arith.constant 8 : i32
      %eq3A = arith.constant 0 : i32
      %eq3A_235 = arith.cmpi eq, %jit3A_234, %eq3A : i32
      %jit3A_236 = arith.constant 1 : i32
      %select_n3A_237 = arith.select %eq3A_235, %jit3A_236, %jit3A_234 : i32
      %rem3A_238 = arith.remsi %scan3A_216, %select_n3A_237 : i32
      %ne3A_239 = arith.constant 0 : i32
      %ne3A_240 = arith.cmpi ne, %rem3A_238, %ne3A_239 : i32
      %lt3A_241 = arith.constant 0 : i32
      %lt3A_242 = arith.cmpi slt, %rem3A_238, %lt3A_241 : i32
      %lt3A_243 = arith.constant 0 : i32
      %lt3A_244 = arith.cmpi slt, %select_n3A_237, %lt3A_243 : i32
      %ne3A_245 = arith.xori %lt3A_242, %lt3A_244 : i1
      %and3A_246 = arith.andi %ne3A_245, %ne3A_240 : i1
      %add3A_247 = arith.addi %rem3A_238, %select_n3A_237 : i32
      %select_n3A_248 = arith.select %and3A_246, %add3A_247, %rem3A_238 : i32
      %mul3A_249 = arith.constant 16 : i32
      %mul3A_250 = arith.muli %select_n3A_248, %mul3A_249 : i32
      %broadcast_in_dim3A_251 = arith.constant 0.000000e+00 : f32
      %broadcast_in_dim3A_252 = vector.broadcast %broadcast_in_dim3A_251 : f32 to vector<16xf32>
      %swap3A = arith.index_cast %select_n3A : i32 to index
      %swap3A_253 = arith.index_cast %mul3A_250 : i32 to index
      %swap3A_254 = tpu.vector_load %arg12[%swap3A, %swap3A_253] {strides = array<i32>} : memref<40x128xf32, #tpu.memory_space<vmem>>, vector<16xf32>,
      tpu.vector_store %arg12[%swap3A, %swap3A_253], %broadcast_in_dim3A_252 {strides = array<i32>} : memref<40x128xf32, #tpu.memory_space<vmem>>, vector<16xf32>,
      %scan3A_255 = arith.constant 0 : i32
      scf.yield %scan3A_255 : i32
    }
    %scan3A_41 = arith.constant 320 : i32
    %scan3A_42 = arith.constant 0 : i32
    %scan3A_43 = arith.constant 0 : i32
    %scan3A_44 = arith.constant 16 : i32
    %scan3A_45 = arith.addi %scan3A_43, %scan3A_44 : i32
    %scan3A_46 = arith.constant 1 : i32
    %scan3A_47 = scf.for %scan3A_216 = %scan3A_43 to %scan3A_45 step %scan3A_46 iter_args(%scan3A_217 = %scan3A_42) -> (i32)  : i32 {
      %mul3A_218 = arith.constant 40 : i32
      %mul3A_219 = arith.muli %scan3A_216, %mul3A_218 : i32
      %add3A_220 = arith.addi %mul3A_2, %mul3A_219 : i32
      %dma_start3A_221 = arith.constant 0 : i32
      %dma_start3A_222 = tpu.memref_slice %arg14[%add3A_220, %dma_start3A_221] : memref<10240x128xf32, #tpu.memory_space<vmem_shared>> -> memref<40x128xf32, #tpu.memory_space<vmem_shared>>
      %dma_start3A_223 = arith.constant 0 : i32
      %dma_start3A_224 = tpu.memref_slice %arg14[%add3A_220, %dma_start3A_223] : memref<10240x128xf32, #tpu.memory_space<vmem_shared>> -> memref<40x128xf32, #tpu.memory_space<vmem_shared>>
      tpu.enqueue_dma source(%arg12 : memref<40x128xf32, #tpu.memory_space<vmem>>) target(%dma_start3A_224 : memref<40x128xf32, #tpu.memory_space<vmem_shared>>) target_semaphore(%arg23 : memref<!tpu.dma_semaphore, #tpu.memory_space<semaphore_mem>>)
      %scan3A_225 = arith.constant 0 : i32
      scf.yield %scan3A_225 : i32
    }
    %scan3A_48 = arith.constant 16 : i32
    %scan3A_49 = arith.constant 0 : i32
    %scan3A_50 = arith.constant 0 : i32
    %scan3A_51 = arith.constant 640 : i32
    %scan3A_52 = arith.addi %scan3A_50, %scan3A_51 : i32
    %scan3A_53 = arith.constant 1 : i32
    %scan3A_54 = scf.for %scan3A_216 = %scan3A_50 to %scan3A_52 step %scan3A_53 iter_args(%scan3A_217 = %scan3A_49) -> (i32)  : i32 {
      %broadcast_in_dim3A_218 = arith.constant 0.000000e+00 : f32
      %broadcast_in_dim3A_219 = vector.broadcast %broadcast_in_dim3A_218 : f32 to vector<16xf32>
      %mul3A_220 = arith.constant 16 : i32
      %mul3A_221 = arith.muli %scan3A_216, %mul3A_220 : i32
      %swap3A = arith.index_cast %mul3A_221 : i32 to index
      %swap3A_222 = tpu.vector_load %arg13[%swap3A] {strides = array<i32>} : memref<10240xf32, #tpu.memory_space<vmem>>, vector<16xf32>,
      tpu.vector_store %arg13[%swap3A], %broadcast_in_dim3A_219 {strides = array<i32>} : memref<10240xf32, #tpu.memory_space<vmem>>, vector<16xf32>,
      %scan3A_223 = arith.constant 0 : i32
      scf.yield %scan3A_223 : i32
    }
    %scan3A_55 = arith.constant 640 : i32
    %scan3A_56 = arith.constant 0 : i32
    %scan3A_57 = arith.constant 0 : i32
    %scan3A_58 = arith.constant 16 : i32
    %scan3A_59 = arith.addi %scan3A_57, %scan3A_58 : i32
    %scan3A_60 = arith.constant 1 : i32
    %scan3A_61 = scf.for %scan3A_216 = %scan3A_57 to %scan3A_59 step %scan3A_60 iter_args(%scan3A_217 = %scan3A_56) -> (i32)  : i32 {
      %mul3A_218 = arith.constant 40 : i32
      %mul3A_219 = arith.muli %scan3A_216, %mul3A_218 : i32
      %add3A_220 = arith.addi %mul3A_2, %mul3A_219 : i32
      %dma_wait3A_221 = arith.constant 0 : i32
      %dma_wait3A_222 = tpu.memref_slice %arg14[%add3A_220, %dma_wait3A_221] : memref<10240x128xf32, #tpu.memory_space<vmem_shared>> -> memref<40x128xf32, #tpu.memory_space<vmem_shared>>
      %dma_wait3A_223 = arith.constant 0 : i32
      %dma_wait3A_224 = tpu.memref_slice %arg14[%add3A_220, %dma_wait3A_223] : memref<10240x128xf32, #tpu.memory_space<vmem_shared>> -> memref<40x128xf32, #tpu.memory_space<vmem_shared>>
      tpu.wait_dma2 semaphore(%arg23 : memref<!tpu.dma_semaphore, #tpu.memory_space<semaphore_mem>>) src(%arg12 : memref<40x128xf32, #tpu.memory_space<vmem>>) dst(%dma_wait3A_224 : memref<40x128xf32, #tpu.memory_space<vmem_shared>>)
      %scan3A_225 = arith.constant 0 : i32
      scf.yield %scan3A_225 : i32
    }
    %scan3A_62 = arith.constant 16 : i32
    %barrier3A = arith.constant 0 : index
    tpu.barrier barrier_id(%barrier3A)
    %broadcast_in_dim3A = arith.constant 1.000000e+00 : f32
    %broadcast_in_dim3A_63 = vector.broadcast %broadcast_in_dim3A : f32 to vector<16xf32>
    %scan3A_64 = arith.constant 0 : i32
    %scan3A_65 = arith.constant 0 : i32
    %scan3A_66 = arith.constant 19 : i32
    %scan3A_67 = arith.addi %scan3A_65, %scan3A_66 : i32
    %scan3A_68 = arith.constant 1 : i32
    %scan3A_69 = scf.for %scan3A_216 = %scan3A_65 to %scan3A_67 step %scan3A_68 iter_args(%scan3A_217 = %scan3A_64) -> (i32)  : i32 {
      %mul3A_218 = arith.constant 4 : i32
      %mul3A_219 = arith.muli %mul3A_218, %scan3A_216 : i32
      %add3A_220 = arith.constant 0 : i32
      %add3A_221 = arith.addi %mul3A_219, %add3A_220 : i32
      %ge3A = arith.constant 1 : i32
      %ge3A_222 = arith.cmpi sge, %add3A_221, %ge3A : i32
      %convert_element_type3A_223 = arith.extui %ge3A_222 : i1 to i32
      %cond3A_224 = arith.constant 0 : i32
      %cond3A_225 = arith.cmpi ne, %convert_element_type3A_223, %cond3A_224 : i32
      scf.if %cond3A_225 {
        %dma_wait3A_494 = arith.constant 1 : i32
        %dma_wait3A_495 = arith.constant 0 : i32
        %dma_wait3A_496 = tpu.memref_slice %arg9[%dma_wait3A_494, %dma_wait3A_495] : memref<2x128xi32, #tpu.memory_space<vmem>> -> memref<1x128xi32, #tpu.memory_space<vmem>>
        %dma_wait3A_497 = tpu.memref_squeeze %dma_wait3A_496 : memref<1x128xi32, #tpu.memory_space<vmem>> -> memref<128xi32, #tpu.memory_space<vmem>>
        %dma_wait3A_498 = arith.constant 0 : i32
        %dma_wait3A_499 = arith.constant 0 : i32
        %dma_wait3A_500 = tpu.memref_slice %arg14[%dma_wait3A_498, %dma_wait3A_499] : memref<10240x128xf32, #tpu.memory_space<vmem_shared>> -> memref<10240x128xf32, #tpu.memory_space<vmem_shared>>
        tpu.wait_indirect_dma semaphore(%arg22 : memref<!tpu.dma_semaphore, #tpu.memory_space<semaphore_mem>>) src(%arg11 : memref<128x128xf32, #tpu.memory_space<vmem>>) dst(%dma_wait3A_500 : memref<10240x128xf32, #tpu.memory_space<vmem_shared>>)
      } else {
      }
      %add3A_226 = arith.constant 1 : i32
      %add3A_227 = arith.addi %add3A_221, %add3A_226 : i32
      %lt3A_228 = arith.constant 78 : i32
      %lt3A_229 = arith.cmpi slt, %add3A_227, %lt3A_228 : i32
      %convert_element_type3A_230 = arith.extui %lt3A_229 : i1 to i32
      %cond3A_231 = arith.constant 0 : i32
      %cond3A_232 = arith.cmpi ne, %convert_element_type3A_230, %cond3A_231 : i32
      scf.if %cond3A_232 {
        %add3A_494 = arith.constant 1 : i32
        %add3A_495 = arith.addi %add3A_221, %add3A_494 : i32
        %add3A_496 = arith.addi %mul3A_4, %add3A_495 : i32
        %mul3A_497 = arith.constant 128 : i32
        %mul3A_498 = arith.muli %add3A_496, %mul3A_497 : i32
        %multiple_of3A_499 = tpu.assume_multiple %mul3A_498, 128 : i32
        %dma_wait3A_500 = arith.constant 0 : i32
        %dma_wait3A_501 = tpu.memref_slice %arg3[%dma_wait3A_500, %multiple_of3A_499] : memref<2x320000xi32, #tpu.memory_space<hbm>> -> memref<2x128xi32, #tpu.memory_space<hbm>>
        %dma_wait3A_502 = arith.constant 0 : i32
        %dma_wait3A_503 = tpu.memref_slice %arg3[%dma_wait3A_502, %multiple_of3A_499] : memref<2x320000xi32, #tpu.memory_space<hbm>> -> memref<2x128xi32, #tpu.memory_space<hbm>>
        tpu.wait_dma2 semaphore(%arg16 : memref<!tpu.dma_semaphore, #tpu.memory_space<semaphore_mem>>) src(%dma_wait3A_503 : memref<2x128xi32, #tpu.memory_space<hbm>>) dst(%arg7 : memref<2x128xi32, #tpu.memory_space<vmem>>)
        %dma_start3A_504 = arith.constant 0 : i32
        %dma_start3A_505 = arith.constant 0 : i32
        %dma_start3A_506 = tpu.memref_slice %arg7[%dma_start3A_504, %dma_start3A_505] : memref<2x128xi32, #tpu.memory_space<vmem>> -> memref<1x128xi32, #tpu.memory_space<vmem>>
        %dma_start3A_507 = tpu.memref_squeeze %dma_start3A_506 : memref<1x128xi32, #tpu.memory_space<vmem>> -> memref<128xi32, #tpu.memory_space<vmem>>
        %dma_start3A_508 = arith.constant 0 : i32
        %dma_start3A_509 = arith.constant 0 : i32
        %dma_start3A_510 = tpu.memref_slice %arg2[%dma_start3A_508, %dma_start3A_509] : memref<10000x128xf32, #tpu.memory_space<hbm>> -> memref<10000x128xf32, #tpu.memory_space<hbm>>
        tpu.enqueue_indirect_dma source(%dma_start3A_510 : memref<10000x128xf32, #tpu.memory_space<hbm>>) target(%arg11 : memref<128x128xf32, #tpu.memory_space<vmem>>) offsets(%dma_start3A_507 : memref<128xi32, #tpu.memory_space<vmem>>) semaphore(%arg20 : memref<!tpu.dma_semaphore, #tpu.memory_space<semaphore_mem>>)
      } else {
      }
      %dma_wait3A_233 = arith.constant 0 : i32
      %dma_wait3A_234 = arith.constant 0 : i32
      %dma_wait3A_235 = tpu.memref_slice %arg6[%dma_wait3A_233, %dma_wait3A_234] : memref<2x128xi32, #tpu.memory_space<vmem>> -> memref<1x128xi32, #tpu.memory_space<vmem>>
      %dma_wait3A_236 = tpu.memref_squeeze %dma_wait3A_235 : memref<1x128xi32, #tpu.memory_space<vmem>> -> memref<128xi32, #tpu.memory_space<vmem>>
      %dma_wait3A_237 = arith.constant 0 : i32
      %dma_wait3A_238 = arith.constant 0 : i32
      %dma_wait3A_239 = tpu.memref_slice %arg2[%dma_wait3A_237, %dma_wait3A_238] : memref<10000x128xf32, #tpu.memory_space<hbm>> -> memref<10000x128xf32, #tpu.memory_space<hbm>>
      tpu.wait_indirect_dma semaphore(%arg19 : memref<!tpu.dma_semaphore, #tpu.memory_space<semaphore_mem>>) src(%dma_wait3A_239 : memref<10000x128xf32, #tpu.memory_space<hbm>>) dst(%arg10 : memref<128x128xf32, #tpu.memory_space<vmem>>)
      %dma_start3A_240 = arith.constant 1 : i32
      %dma_start3A_241 = arith.constant 0 : i32
      %dma_start3A_242 = tpu.memref_slice %arg6[%dma_start3A_240, %dma_start3A_241] : memref<2x128xi32, #tpu.memory_space<vmem>> -> memref<1x128xi32, #tpu.memory_space<vmem>>
      %dma_start3A_243 = tpu.memref_squeeze %dma_start3A_242 : memref<1x128xi32, #tpu.memory_space<vmem>> -> memref<128xi32, #tpu.memory_space<vmem>>
      %dma_start3A_244 = arith.constant 0 : i32
      %dma_start3A_245 = arith.constant 0 : i32
      %dma_start3A_246 = tpu.memref_slice %arg14[%dma_start3A_244, %dma_start3A_245] : memref<10240x128xf32, #tpu.memory_space<vmem_shared>> -> memref<10240x128xf32, #tpu.memory_space<vmem_shared>>
      tpu.enqueue_indirect_dma source(%arg10 : memref<128x128xf32, #tpu.memory_space<vmem>>) target(%dma_start3A_246 : memref<10240x128xf32, #tpu.memory_space<vmem_shared>>) offsets(%dma_start3A_243 : memref<128xi32, #tpu.memory_space<vmem>>) semaphore(%arg21 : memref<!tpu.dma_semaphore, #tpu.memory_space<semaphore_mem>>) {add = true}
      %get3A_247 = arith.constant 1 : i32
      %get3A_248 = arith.index_cast %get3A_247 : i32 to index
      %get3A_249 = arith.constant 0 : index
      %get3A_250 = tpu.vector_load %arg6[%get3A_248, %get3A_249] {strides = array<i32>} : memref<2x128xi32, #tpu.memory_space<vmem>>, vector<16xi32>,
      tpu.vector_store_idx %arg13[%get3A_250], %broadcast_in_dim3A_63 {add = true} : memref<10240xf32, #tpu.memory_space<vmem>>[vector<16xi32>], vector<16xf32>,
      %get3A_251 = arith.constant 1 : i32
      %get3A_252 = arith.index_cast %get3A_251 : i32 to index
      %get3A_253 = arith.constant 16 : index
      %get3A_254 = tpu.vector_load %arg6[%get3A_252, %get3A_253] {strides = array<i32>} : memref<2x128xi32, #tpu.memory_space<vmem>>, vector<16xi32>,
      tpu.vector_store_idx %arg13[%get3A_254], %broadcast_in_dim3A_63 {add = true} : memref<10240xf32, #tpu.memory_space<vmem>>[vector<16xi32>], vector<16xf32>,
      %get3A_255 = arith.constant 1 : i32
      %get3A_256 = arith.index_cast %get3A_255 : i32 to index
      %get3A_257 = arith.constant 32 : index
      %get3A_258 = tpu.vector_load %arg6[%get3A_256, %get3A_257] {strides = array<i32>} : memref<2x128xi32, #tpu.memory_space<vmem>>, vector<16xi32>,
      tpu.vector_store_idx %arg13[%get3A_258], %broadcast_in_dim3A_63 {add = true} : memref<10240xf32, #tpu.memory_space<vmem>>[vector<16xi32>], vector<16xf32>,
      %get3A_259 = arith.constant 1 : i32
      %get3A_260 = arith.index_cast %get3A_259 : i32 to index
      %get3A_261 = arith.constant 48 : index
      %get3A_262 = tpu.vector_load %arg6[%get3A_260, %get3A_261] {strides = array<i32>} : memref<2x128xi32, #tpu.memory_space<vmem>>, vector<16xi32>,
      tpu.vector_store_idx %arg13[%get3A_262], %broadcast_in_dim3A_63 {add = true} : memref<10240xf32, #tpu.memory_space<vmem>>[vector<16xi32>], vector<16xf32>,
      %get3A_263 = arith.constant 1 : i32
      %get3A_264 = arith.index_cast %get3A_263 : i32 to index
      %get3A_265 = arith.constant 64 : index
      %get3A_266 = tpu.vector_load %arg6[%get3A_264, %get3A_265] {strides = array<i32>} : memref<2x128xi32, #tpu.memory_space<vmem>>, vector<16xi32>,
      tpu.vector_store_idx %arg13[%get3A_266], %broadcast_in_dim3A_63 {add = true} : memref<10240xf32, #tpu.memory_space<vmem>>[vector<16xi32>], vector<16xf32>,
      %get3A_267 = arith.constant 1 : i32
      %get3A_268 = arith.index_cast %get3A_267 : i32 to index
      %get3A_269 = arith.constant 80 : index
      %get3A_270 = tpu.vector_load %arg6[%get3A_268, %get3A_269] {strides = array<i32>} : memref<2x128xi32, #tpu.memory_space<vmem>>, vector<16xi32>,
      tpu.vector_store_idx %arg13[%get3A_270], %broadcast_in_dim3A_63 {add = true} : memref<10240xf32, #tpu.memory_space<vmem>>[vector<16xi32>], vector<16xf32>,
      %get3A_271 = arith.constant 1 : i32
      %get3A_272 = arith.index_cast %get3A_271 : i32 to index
      %get3A_273 = arith.constant 96 : index
      %get3A_274 = tpu.vector_load %arg6[%get3A_272, %get3A_273] {strides = array<i32>} : memref<2x128xi32, #tpu.memory_space<vmem>>, vector<16xi32>,
      tpu.vector_store_idx %arg13[%get3A_274], %broadcast_in_dim3A_63 {add = true} : memref<10240xf32, #tpu.memory_space<vmem>>[vector<16xi32>], vector<16xf32>,
      %get3A_275 = arith.constant 1 : i32
      %get3A_276 = arith.index_cast %get3A_275 : i32 to index
      %get3A_277 = arith.constant 112 : index
      %get3A_278 = tpu.vector_load %arg6[%get3A_276, %get3A_277] {strides = array<i32>} : memref<2x128xi32, #tpu.memory_space<vmem>>, vector<16xi32>,
      tpu.vector_store_idx %arg13[%get3A_278], %broadcast_in_dim3A_63 {add = true} : memref<10240xf32, #tpu.memory_space<vmem>>[vector<16xi32>], vector<16xf32>,
      %add3A_279 = arith.constant 2 : i32
      %add3A_280 = arith.addi %add3A_221, %add3A_279 : i32
      %lt3A_281 = arith.constant 78 : i32
      %lt3A_282 = arith.cmpi slt, %add3A_280, %lt3A_281 : i32
      %convert_element_type3A_283 = arith.extui %lt3A_282 : i1 to i32
      %cond3A_284 = arith.constant 0 : i32
      %cond3A_285 = arith.cmpi ne, %convert_element_type3A_283, %cond3A_284 : i32
      scf.if %cond3A_285 {
        %add3A_494 = arith.constant 2 : i32
        %add3A_495 = arith.addi %add3A_221, %add3A_494 : i32
        %add3A_496 = arith.addi %mul3A_4, %add3A_495 : i32
        %mul3A_497 = arith.constant 128 : i32
        %mul3A_498 = arith.muli %add3A_496, %mul3A_497 : i32
        %multiple_of3A_499 = tpu.assume_multiple %mul3A_498, 128 : i32
        %dma_start3A_500 = arith.constant 0 : i32
        %dma_start3A_501 = tpu.memref_slice %arg3[%dma_start3A_500, %multiple_of3A_499] : memref<2x320000xi32, #tpu.memory_space<hbm>> -> memref<2x128xi32, #tpu.memory_space<hbm>>
        %dma_start3A_502 = arith.constant 0 : i32
        %dma_start3A_503 = tpu.memref_slice %arg3[%dma_start3A_502, %multiple_of3A_499] : memref<2x320000xi32, #tpu.memory_space<hbm>> -> memref<2x128xi32, #tpu.memory_space<hbm>>
        tpu.enqueue_dma source(%dma_start3A_503 : memref<2x128xi32, #tpu.memory_space<hbm>>) target(%arg8 : memref<2x128xi32, #tpu.memory_space<vmem>>) target_semaphore(%arg17 : memref<!tpu.dma_semaphore, #tpu.memory_space<semaphore_mem>>)
      } else {
      }
      %mul3A_286 = arith.constant 4 : i32
      %mul3A_287 = arith.muli %mul3A_286, %scan3A_216 : i32
      %add3A_288 = arith.constant 1 : i32
      %add3A_289 = arith.addi %mul3A_287, %add3A_288 : i32
      %ge3A_290 = arith.constant 1 : i32
      %ge3A_291 = arith.cmpi sge, %add3A_289, %ge3A_290 : i32
      %convert_element_type3A_292 = arith.extui %ge3A_291 : i1 to i32
      %cond3A_293 = arith.constant 0 : i32
      %cond3A_294 = arith.cmpi ne, %convert_element_type3A_292, %cond3A_293 : i32
      scf.if %cond3A_294 {
        %dma_wait3A_494 = arith.constant 1 : i32
        %dma_wait3A_495 = arith.constant 0 : i32
        %dma_wait3A_496 = tpu.memref_slice %arg6[%dma_wait3A_494, %dma_wait3A_495] : memref<2x128xi32, #tpu.memory_space<vmem>> -> memref<1x128xi32, #tpu.memory_space<vmem>>
        %dma_wait3A_497 = tpu.memref_squeeze %dma_wait3A_496 : memref<1x128xi32, #tpu.memory_space<vmem>> -> memref<128xi32, #tpu.memory_space<vmem>>
        %dma_wait3A_498 = arith.constant 0 : i32
        %dma_wait3A_499 = arith.constant 0 : i32
        %dma_wait3A_500 = tpu.memref_slice %arg14[%dma_wait3A_498, %dma_wait3A_499] : memref<10240x128xf32, #tpu.memory_space<vmem_shared>> -> memref<10240x128xf32, #tpu.memory_space<vmem_shared>>
        tpu.wait_indirect_dma semaphore(%arg21 : memref<!tpu.dma_semaphore, #tpu.memory_space<semaphore_mem>>) src(%arg10 : memref<128x128xf32, #tpu.memory_space<vmem>>) dst(%dma_wait3A_500 : memref<10240x128xf32, #tpu.memory_space<vmem_shared>>)
      } else {
      }
      %add3A_295 = arith.constant 1 : i32
      %add3A_296 = arith.addi %add3A_289, %add3A_295 : i32
      %lt3A_297 = arith.constant 78 : i32
      %lt3A_298 = arith.cmpi slt, %add3A_296, %lt3A_297 : i32
      %convert_element_type3A_299 = arith.extui %lt3A_298 : i1 to i32
      %cond3A_300 = arith.constant 0 : i32
      %cond3A_301 = arith.cmpi ne, %convert_element_type3A_299, %cond3A_300 : i32
      scf.if %cond3A_301 {
        %add3A_494 = arith.constant 1 : i32
        %add3A_495 = arith.addi %add3A_289, %add3A_494 : i32
        %add3A_496 = arith.addi %mul3A_4, %add3A_495 : i32
        %mul3A_497 = arith.constant 128 : i32
        %mul3A_498 = arith.muli %add3A_496, %mul3A_497 : i32
        %multiple_of3A_499 = tpu.assume_multiple %mul3A_498, 128 : i32
        %dma_wait3A_500 = arith.constant 0 : i32
        %dma_wait3A_501 = tpu.memref_slice %arg3[%dma_wait3A_500, %multiple_of3A_499] : memref<2x320000xi32, #tpu.memory_space<hbm>> -> memref<2x128xi32, #tpu.memory_space<hbm>>
        %dma_wait3A_502 = arith.constant 0 : i32
        %dma_wait3A_503 = tpu.memref_slice %arg3[%dma_wait3A_502, %multiple_of3A_499] : memref<2x320000xi32, #tpu.memory_space<hbm>> -> memref<2x128xi32, #tpu.memory_space<hbm>>
        tpu.wait_dma2 semaphore(%arg17 : memref<!tpu.dma_semaphore, #tpu.memory_space<semaphore_mem>>) src(%dma_wait3A_503 : memref<2x128xi32, #tpu.memory_space<hbm>>) dst(%arg8 : memref<2x128xi32, #tpu.memory_space<vmem>>)
        %dma_start3A_504 = arith.constant 0 : i32
        %dma_start3A_505 = arith.constant 0 : i32
        %dma_start3A_506 = tpu.memref_slice %arg8[%dma_start3A_504, %dma_start3A_505] : memref<2x128xi32, #tpu.memory_space<vmem>> -> memref<1x128xi32, #tpu.memory_space<vmem>>
        %dma_start3A_507 = tpu.memref_squeeze %dma_start3A_506 : memref<1x128xi32, #tpu.memory_space<vmem>> -> memref<128xi32, #tpu.memory_space<vmem>>
        %dma_start3A_508 = arith.constant 0 : i32
        %dma_start3A_509 = arith.constant 0 : i32
        %dma_start3A_510 = tpu.memref_slice %arg2[%dma_start3A_508, %dma_start3A_509] : memref<10000x128xf32, #tpu.memory_space<hbm>> -> memref<10000x128xf32, #tpu.memory_space<hbm>>
        tpu.enqueue_indirect_dma source(%dma_start3A_510 : memref<10000x128xf32, #tpu.memory_space<hbm>>) target(%arg10 : memref<128x128xf32, #tpu.memory_space<vmem>>) offsets(%dma_start3A_507 : memref<128xi32, #tpu.memory_space<vmem>>) semaphore(%arg19 : memref<!tpu.dma_semaphore, #tpu.memory_space<semaphore_mem>>)
      } else {
      }
      %dma_wait3A_302 = arith.constant 0 : i32
      %dma_wait3A_303 = arith.constant 0 : i32
      %dma_wait3A_304 = tpu.memref_slice %arg7[%dma_wait3A_302, %dma_wait3A_303] : memref<2x128xi32, #tpu.memory_space<vmem>> -> memref<1x128xi32, #tpu.memory_space<vmem>>
      %dma_wait3A_305 = tpu.memref_squeeze %dma_wait3A_304 : memref<1x128xi32, #tpu.memory_space<vmem>> -> memref<128xi32, #tpu.memory_space<vmem>>
      %dma_wait3A_306 = arith.constant 0 : i32
      %dma_wait3A_307 = arith.constant 0 : i32
      %dma_wait3A_308 = tpu.memref_slice %arg2[%dma_wait3A_306, %dma_wait3A_307] : memref<10000x128xf32, #tpu.memory_space<hbm>> -> memref<10000x128xf32, #tpu.memory_space<hbm>>
      tpu.wait_indirect_dma semaphore(%arg20 : memref<!tpu.dma_semaphore, #tpu.memory_space<semaphore_mem>>) src(%dma_wait3A_308 : memref<10000x128xf32, #tpu.memory_space<hbm>>) dst(%arg11 : memref<128x128xf32, #tpu.memory_space<vmem>>)
      %dma_start3A_309 = arith.constant 1 : i32
      %dma_start3A_310 = arith.constant 0 : i32
      %dma_start3A_311 = tpu.memref_slice %arg7[%dma_start3A_309, %dma_start3A_310] : memref<2x128xi32, #tpu.memory_space<vmem>> -> memref<1x128xi32, #tpu.memory_space<vmem>>
      %dma_start3A_312 = tpu.memref_squeeze %dma_start3A_311 : memref<1x128xi32, #tpu.memory_space<vmem>> -> memref<128xi32, #tpu.memory_space<vmem>>
      %dma_start3A_313 = arith.constant 0 : i32
      %dma_start3A_314 = arith.constant 0 : i32
      %dma_start3A_315 = tpu.memref_slice %arg14[%dma_start3A_313, %dma_start3A_314] : memref<10240x128xf32, #tpu.memory_space<vmem_shared>> -> memref<10240x128xf32, #tpu.memory_space<vmem_shared>>
      tpu.enqueue_indirect_dma source(%arg11 : memref<128x128xf32, #tpu.memory_space<vmem>>) target(%dma_start3A_315 : memref<10240x128xf32, #tpu.memory_space<vmem_shared>>) offsets(%dma_start3A_312 : memref<128xi32, #tpu.memory_space<vmem>>) semaphore(%arg22 : memref<!tpu.dma_semaphore, #tpu.memory_space<semaphore_mem>>) {add = true}
      %get3A_316 = arith.constant 1 : i32
      %get3A_317 = arith.index_cast %get3A_316 : i32 to index
      %get3A_318 = arith.constant 0 : index
      %get3A_319 = tpu.vector_load %arg7[%get3A_317, %get3A_318] {strides = array<i32>} : memref<2x128xi32, #tpu.memory_space<vmem>>, vector<16xi32>,
      tpu.vector_store_idx %arg13[%get3A_319], %broadcast_in_dim3A_63 {add = true} : memref<10240xf32, #tpu.memory_space<vmem>>[vector<16xi32>], vector<16xf32>,
      %get3A_320 = arith.constant 1 : i32
      %get3A_321 = arith.index_cast %get3A_320 : i32 to index
      %get3A_322 = arith.constant 16 : index
      %get3A_323 = tpu.vector_load %arg7[%get3A_321, %get3A_322] {strides = array<i32>} : memref<2x128xi32, #tpu.memory_space<vmem>>, vector<16xi32>,
      tpu.vector_store_idx %arg13[%get3A_323], %broadcast_in_dim3A_63 {add = true} : memref<10240xf32, #tpu.memory_space<vmem>>[vector<16xi32>], vector<16xf32>,
      %get3A_324 = arith.constant 1 : i32
      %get3A_325 = arith.index_cast %get3A_324 : i32 to index
      %get3A_326 = arith.constant 32 : index
      %get3A_327 = tpu.vector_load %arg7[%get3A_325, %get3A_326] {strides = array<i32>} : memref<2x128xi32, #tpu.memory_space<vmem>>, vector<16xi32>,
      tpu.vector_store_idx %arg13[%get3A_327], %broadcast_in_dim3A_63 {add = true} : memref<10240xf32, #tpu.memory_space<vmem>>[vector<16xi32>], vector<16xf32>,
      %get3A_328 = arith.constant 1 : i32
      %get3A_329 = arith.index_cast %get3A_328 : i32 to index
      %get3A_330 = arith.constant 48 : index
      %get3A_331 = tpu.vector_load %arg7[%get3A_329, %get3A_330] {strides = array<i32>} : memref<2x128xi32, #tpu.memory_space<vmem>>, vector<16xi32>,
      tpu.vector_store_idx %arg13[%get3A_331], %broadcast_in_dim3A_63 {add = true} : memref<10240xf32, #tpu.memory_space<vmem>>[vector<16xi32>], vector<16xf32>,
      %get3A_332 = arith.constant 1 : i32
      %get3A_333 = arith.index_cast %get3A_332 : i32 to index
      %get3A_334 = arith.constant 64 : index
      %get3A_335 = tpu.vector_load %arg7[%get3A_333, %get3A_334] {strides = array<i32>} : memref<2x128xi32, #tpu.memory_space<vmem>>, vector<16xi32>,
      tpu.vector_store_idx %arg13[%get3A_335], %broadcast_in_dim3A_63 {add = true} : memref<10240xf32, #tpu.memory_space<vmem>>[vector<16xi32>], vector<16xf32>,
      %get3A_336 = arith.constant 1 : i32
      %get3A_337 = arith.index_cast %get3A_336 : i32 to index
      %get3A_338 = arith.constant 80 : index
      %get3A_339 = tpu.vector_load %arg7[%get3A_337, %get3A_338] {strides = array<i32>} : memref<2x128xi32, #tpu.memory_space<vmem>>, vector<16xi32>,
      tpu.vector_store_idx %arg13[%get3A_339], %broadcast_in_dim3A_63 {add = true} : memref<10240xf32, #tpu.memory_space<vmem>>[vector<16xi32>], vector<16xf32>,
      %get3A_340 = arith.constant 1 : i32
      %get3A_341 = arith.index_cast %get3A_340 : i32 to index
      %get3A_342 = arith.constant 96 : index
      %get3A_343 = tpu.vector_load %arg7[%get3A_341, %get3A_342] {strides = array<i32>} : memref<2x128xi32, #tpu.memory_space<vmem>>, vector<16xi32>,
      tpu.vector_store_idx %arg13[%get3A_343], %broadcast_in_dim3A_63 {add = true} : memref<10240xf32, #tpu.memory_space<vmem>>[vector<16xi32>], vector<16xf32>,
      %get3A_344 = arith.constant 1 : i32
      %get3A_345 = arith.index_cast %get3A_344 : i32 to index
      %get3A_346 = arith.constant 112 : index
      %get3A_347 = tpu.vector_load %arg7[%get3A_345, %get3A_346] {strides = array<i32>} : memref<2x128xi32, #tpu.memory_space<vmem>>, vector<16xi32>,
      tpu.vector_store_idx %arg13[%get3A_347], %broadcast_in_dim3A_63 {add = true} : memref<10240xf32, #tpu.memory_space<vmem>>[vector<16xi32>], vector<16xf32>,
      %add3A_348 = arith.constant 2 : i32
      %add3A_349 = arith.addi %add3A_289, %add3A_348 : i32
      %lt3A_350 = arith.constant 78 : i32
      %lt3A_351 = arith.cmpi slt, %add3A_349, %lt3A_350 : i32
      %convert_element_type3A_352 = arith.extui %lt3A_351 : i1 to i32
      %cond3A_353 = arith.constant 0 : i32
      %cond3A_354 = arith.cmpi ne, %convert_element_type3A_352, %cond3A_353 : i32
      scf.if %cond3A_354 {
        %add3A_494 = arith.constant 2 : i32
        %add3A_495 = arith.addi %add3A_289, %add3A_494 : i32
        %add3A_496 = arith.addi %mul3A_4, %add3A_495 : i32
        %mul3A_497 = arith.constant 128 : i32
        %mul3A_498 = arith.muli %add3A_496, %mul3A_497 : i32
        %multiple_of3A_499 = tpu.assume_multiple %mul3A_498, 128 : i32
        %dma_start3A_500 = arith.constant 0 : i32
        %dma_start3A_501 = tpu.memref_slice %arg3[%dma_start3A_500, %multiple_of3A_499] : memref<2x320000xi32, #tpu.memory_space<hbm>> -> memref<2x128xi32, #tpu.memory_space<hbm>>
        %dma_start3A_502 = arith.constant 0 : i32
        %dma_start3A_503 = tpu.memref_slice %arg3[%dma_start3A_502, %multiple_of3A_499] : memref<2x320000xi32, #tpu.memory_space<hbm>> -> memref<2x128xi32, #tpu.memory_space<hbm>>
        tpu.enqueue_dma source(%dma_start3A_503 : memref<2x128xi32, #tpu.memory_space<hbm>>) target(%arg9 : memref<2x128xi32, #tpu.memory_space<vmem>>) target_semaphore(%arg18 : memref<!tpu.dma_semaphore, #tpu.memory_space<semaphore_mem>>)
      } else {
      }
      %mul3A_355 = arith.constant 4 : i32
      %mul3A_356 = arith.muli %mul3A_355, %scan3A_216 : i32
      %add3A_357 = arith.constant 2 : i32
      %add3A_358 = arith.addi %mul3A_356, %add3A_357 : i32
      %ge3A_359 = arith.constant 1 : i32
      %ge3A_360 = arith.cmpi sge, %add3A_358, %ge3A_359 : i32
      %convert_element_type3A_361 = arith.extui %ge3A_360 : i1 to i32
      %cond3A_362 = arith.constant 0 : i32
      %cond3A_363 = arith.cmpi ne, %convert_element_type3A_361, %cond3A_362 : i32
      scf.if %cond3A_363 {
        %dma_wait3A_494 = arith.constant 1 : i32
        %dma_wait3A_495 = arith.constant 0 : i32
        %dma_wait3A_496 = tpu.memref_slice %arg7[%dma_wait3A_494, %dma_wait3A_495] : memref<2x128xi32, #tpu.memory_space<vmem>> -> memref<1x128xi32, #tpu.memory_space<vmem>>
        %dma_wait3A_497 = tpu.memref_squeeze %dma_wait3A_496 : memref<1x128xi32, #tpu.memory_space<vmem>> -> memref<128xi32, #tpu.memory_space<vmem>>
        %dma_wait3A_498 = arith.constant 0 : i32
        %dma_wait3A_499 = arith.constant 0 : i32
        %dma_wait3A_500 = tpu.memref_slice %arg14[%dma_wait3A_498, %dma_wait3A_499] : memref<10240x128xf32, #tpu.memory_space<vmem_shared>> -> memref<10240x128xf32, #tpu.memory_space<vmem_shared>>
        tpu.wait_indirect_dma semaphore(%arg22 : memref<!tpu.dma_semaphore, #tpu.memory_space<semaphore_mem>>) src(%arg11 : memref<128x128xf32, #tpu.memory_space<vmem>>) dst(%dma_wait3A_500 : memref<10240x128xf32, #tpu.memory_space<vmem_shared>>)
      } else {
      }
      %add3A_364 = arith.constant 1 : i32
      %add3A_365 = arith.addi %add3A_358, %add3A_364 : i32
      %lt3A_366 = arith.constant 78 : i32
      %lt3A_367 = arith.cmpi slt, %add3A_365, %lt3A_366 : i32
      %convert_element_type3A_368 = arith.extui %lt3A_367 : i1 to i32
      %cond3A_369 = arith.constant 0 : i32
      %cond3A_370 = arith.cmpi ne, %convert_element_type3A_368, %cond3A_369 : i32
      scf.if %cond3A_370 {
        %add3A_494 = arith.constant 1 : i32
        %add3A_495 = arith.addi %add3A_358, %add3A_494 : i32
        %add3A_496 = arith.addi %mul3A_4, %add3A_495 : i32
        %mul3A_497 = arith.constant 128 : i32
        %mul3A_498 = arith.muli %add3A_496, %mul3A_497 : i32
        %multiple_of3A_499 = tpu.assume_multiple %mul3A_498, 128 : i32
        %dma_wait3A_500 = arith.constant 0 : i32
        %dma_wait3A_501 = tpu.memref_slice %arg3[%dma_wait3A_500, %multiple_of3A_499] : memref<2x320000xi32, #tpu.memory_space<hbm>> -> memref<2x128xi32, #tpu.memory_space<hbm>>
        %dma_wait3A_502 = arith.constant 0 : i32
        %dma_wait3A_503 = tpu.memref_slice %arg3[%dma_wait3A_502, %multiple_of3A_499] : memref<2x320000xi32, #tpu.memory_space<hbm>> -> memref<2x128xi32, #tpu.memory_space<hbm>>
        tpu.wait_dma2 semaphore(%arg18 : memref<!tpu.dma_semaphore, #tpu.memory_space<semaphore_mem>>) src(%dma_wait3A_503 : memref<2x128xi32, #tpu.memory_space<hbm>>) dst(%arg9 : memref<2x128xi32, #tpu.memory_space<vmem>>)
        %dma_start3A_504 = arith.constant 0 : i32
        %dma_start3A_505 = arith.constant 0 : i32
        %dma_start3A_506 = tpu.memref_slice %arg9[%dma_start3A_504, %dma_start3A_505] : memref<2x128xi32, #tpu.memory_space<vmem>> -> memref<1x128xi32, #tpu.memory_space<vmem>>
        %dma_start3A_507 = tpu.memref_squeeze %dma_start3A_506 : memref<1x128xi32, #tpu.memory_space<vmem>> -> memref<128xi32, #tpu.memory_space<vmem>>
        %dma_start3A_508 = arith.constant 0 : i32
        %dma_start3A_509 = arith.constant 0 : i32
        %dma_start3A_510 = tpu.memref_slice %arg2[%dma_start3A_508, %dma_start3A_509] : memref<10000x128xf32, #tpu.memory_space<hbm>> -> memref<10000x128xf32, #tpu.memory_space<hbm>>
        tpu.enqueue_indirect_dma source(%dma_start3A_510 : memref<10000x128xf32, #tpu.memory_space<hbm>>) target(%arg11 : memref<128x128xf32, #tpu.memory_space<vmem>>) offsets(%dma_start3A_507 : memref<128xi32, #tpu.memory_space<vmem>>) semaphore(%arg20 : memref<!tpu.dma_semaphore, #tpu.memory_space<semaphore_mem>>)
      } else {
      }
      %dma_wait3A_371 = arith.constant 0 : i32
      %dma_wait3A_372 = arith.constant 0 : i32
      %dma_wait3A_373 = tpu.memref_slice %arg8[%dma_wait3A_371, %dma_wait3A_372] : memref<2x128xi32, #tpu.memory_space<vmem>> -> memref<1x128xi32, #tpu.memory_space<vmem>>
      %dma_wait3A_374 = tpu.memref_squeeze %dma_wait3A_373 : memref<1x128xi32, #tpu.memory_space<vmem>> -> memref<128xi32, #tpu.memory_space<vmem>>
      %dma_wait3A_375 = arith.constant 0 : i32
      %dma_wait3A_376 = arith.constant 0 : i32
      %dma_wait3A_377 = tpu.memref_slice %arg2[%dma_wait3A_375, %dma_wait3A_376] : memref<10000x128xf32, #tpu.memory_space<hbm>> -> memref<10000x128xf32, #tpu.memory_space<hbm>>
      tpu.wait_indirect_dma semaphore(%arg19 : memref<!tpu.dma_semaphore, #tpu.memory_space<semaphore_mem>>) src(%dma_wait3A_377 : memref<10000x128xf32, #tpu.memory_space<hbm>>) dst(%arg10 : memref<128x128xf32, #tpu.memory_space<vmem>>)
      %dma_start3A_378 = arith.constant 1 : i32
      %dma_start3A_379 = arith.constant 0 : i32
      %dma_start3A_380 = tpu.memref_slice %arg8[%dma_start3A_378, %dma_start3A_379] : memref<2x128xi32, #tpu.memory_space<vmem>> -> memref<1x128xi32, #tpu.memory_space<vmem>>
      %dma_start3A_381 = tpu.memref_squeeze %dma_start3A_380 : memref<1x128xi32, #tpu.memory_space<vmem>> -> memref<128xi32, #tpu.memory_space<vmem>>
      %dma_start3A_382 = arith.constant 0 : i32
      %dma_start3A_383 = arith.constant 0 : i32
      %dma_start3A_384 = tpu.memref_slice %arg14[%dma_start3A_382, %dma_start3A_383] : memref<10240x128xf32, #tpu.memory_space<vmem_shared>> -> memref<10240x128xf32, #tpu.memory_space<vmem_shared>>
      tpu.enqueue_indirect_dma source(%arg10 : memref<128x128xf32, #tpu.memory_space<vmem>>) target(%dma_start3A_384 : memref<10240x128xf32, #tpu.memory_space<vmem_shared>>) offsets(%dma_start3A_381 : memref<128xi32, #tpu.memory_space<vmem>>) semaphore(%arg21 : memref<!tpu.dma_semaphore, #tpu.memory_space<semaphore_mem>>) {add = true}
      %get3A_385 = arith.constant 1 : i32
      %get3A_386 = arith.index_cast %get3A_385 : i32 to index
      %get3A_387 = arith.constant 0 : index
      %get3A_388 = tpu.vector_load %arg8[%get3A_386, %get3A_387] {strides = array<i32>} : memref<2x128xi32, #tpu.memory_space<vmem>>, vector<16xi32>,
      tpu.vector_store_idx %arg13[%get3A_388], %broadcast_in_dim3A_63 {add = true} : memref<10240xf32, #tpu.memory_space<vmem>>[vector<16xi32>], vector<16xf32>,
      %get3A_389 = arith.constant 1 : i32
      %get3A_390 = arith.index_cast %get3A_389 : i32 to index
      %get3A_391 = arith.constant 16 : index
      %get3A_392 = tpu.vector_load %arg8[%get3A_390, %get3A_391] {strides = array<i32>} : memref<2x128xi32, #tpu.memory_space<vmem>>, vector<16xi32>,
      tpu.vector_store_idx %arg13[%get3A_392], %broadcast_in_dim3A_63 {add = true} : memref<10240xf32, #tpu.memory_space<vmem>>[vector<16xi32>], vector<16xf32>,
      %get3A_393 = arith.constant 1 : i32
      %get3A_394 = arith.index_cast %get3A_393 : i32 to index
      %get3A_395 = arith.constant 32 : index
      %get3A_396 = tpu.vector_load %arg8[%get3A_394, %get3A_395] {strides = array<i32>} : memref<2x128xi32, #tpu.memory_space<vmem>>, vector<16xi32>,
      tpu.vector_store_idx %arg13[%get3A_396], %broadcast_in_dim3A_63 {add = true} : memref<10240xf32, #tpu.memory_space<vmem>>[vector<16xi32>], vector<16xf32>,
      %get3A_397 = arith.constant 1 : i32
      %get3A_398 = arith.index_cast %get3A_397 : i32 to index
      %get3A_399 = arith.constant 48 : index
      %get3A_400 = tpu.vector_load %arg8[%get3A_398, %get3A_399] {strides = array<i32>} : memref<2x128xi32, #tpu.memory_space<vmem>>, vector<16xi32>,
      tpu.vector_store_idx %arg13[%get3A_400], %broadcast_in_dim3A_63 {add = true} : memref<10240xf32, #tpu.memory_space<vmem>>[vector<16xi32>], vector<16xf32>,
      %get3A_401 = arith.constant 1 : i32
      %get3A_402 = arith.index_cast %get3A_401 : i32 to index
      %get3A_403 = arith.constant 64 : index
      %get3A_404 = tpu.vector_load %arg8[%get3A_402, %get3A_403] {strides = array<i32>} : memref<2x128xi32, #tpu.memory_space<vmem>>, vector<16xi32>,
      tpu.vector_store_idx %arg13[%get3A_404], %broadcast_in_dim3A_63 {add = true} : memref<10240xf32, #tpu.memory_space<vmem>>[vector<16xi32>], vector<16xf32>,
      %get3A_405 = arith.constant 1 : i32
      %get3A_406 = arith.index_cast %get3A_405 : i32 to index
      %get3A_407 = arith.constant 80 : index
      %get3A_408 = tpu.vector_load %arg8[%get3A_406, %get3A_407] {strides = array<i32>} : memref<2x128xi32, #tpu.memory_space<vmem>>, vector<16xi32>,
      tpu.vector_store_idx %arg13[%get3A_408], %broadcast_in_dim3A_63 {add = true} : memref<10240xf32, #tpu.memory_space<vmem>>[vector<16xi32>], vector<16xf32>,
      %get3A_409 = arith.constant 1 : i32
      %get3A_410 = arith.index_cast %get3A_409 : i32 to index
      %get3A_411 = arith.constant 96 : index
      %get3A_412 = tpu.vector_load %arg8[%get3A_410, %get3A_411] {strides = array<i32>} : memref<2x128xi32, #tpu.memory_space<vmem>>, vector<16xi32>,
      tpu.vector_store_idx %arg13[%get3A_412], %broadcast_in_dim3A_63 {add = true} : memref<10240xf32, #tpu.memory_space<vmem>>[vector<16xi32>], vector<16xf32>,
      %get3A_413 = arith.constant 1 : i32
      %get3A_414 = arith.index_cast %get3A_413 : i32 to index
      %get3A_415 = arith.constant 112 : index
      %get3A_416 = tpu.vector_load %arg8[%get3A_414, %get3A_415] {strides = array<i32>} : memref<2x128xi32, #tpu.memory_space<vmem>>, vector<16xi32>,
      tpu.vector_store_idx %arg13[%get3A_416], %broadcast_in_dim3A_63 {add = true} : memref<10240xf32, #tpu.memory_space<vmem>>[vector<16xi32>], vector<16xf32>,
      %add3A_417 = arith.constant 2 : i32
      %add3A_418 = arith.addi %add3A_358, %add3A_417 : i32
      %lt3A_419 = arith.constant 78 : i32
      %lt3A_420 = arith.cmpi slt, %add3A_418, %lt3A_419 : i32
      %convert_element_type3A_421 = arith.extui %lt3A_420 : i1 to i32
      %cond3A_422 = arith.constant 0 : i32
      %cond3A_423 = arith.cmpi ne, %convert_element_type3A_421, %cond3A_422 : i32
      scf.if %cond3A_423 {
        %add3A_494 = arith.constant 2 : i32
        %add3A_495 = arith.addi %add3A_358, %add3A_494 : i32
        %add3A_496 = arith.addi %mul3A_4, %add3A_495 : i32
        %mul3A_497 = arith.constant 128 : i32
        %mul3A_498 = arith.muli %add3A_496, %mul3A_497 : i32
        %multiple_of3A_499 = tpu.assume_multiple %mul3A_498, 128 : i32
        %dma_start3A_500 = arith.constant 0 : i32
        %dma_start3A_501 = tpu.memref_slice %arg3[%dma_start3A_500, %multiple_of3A_499] : memref<2x320000xi32, #tpu.memory_space<hbm>> -> memref<2x128xi32, #tpu.memory_space<hbm>>
        %dma_start3A_502 = arith.constant 0 : i32
        %dma_start3A_503 = tpu.memref_slice %arg3[%dma_start3A_502, %multiple_of3A_499] : memref<2x320000xi32, #tpu.memory_space<hbm>> -> memref<2x128xi32, #tpu.memory_space<hbm>>
        tpu.enqueue_dma source(%dma_start3A_503 : memref<2x128xi32, #tpu.memory_space<hbm>>) target(%arg6 : memref<2x128xi32, #tpu.memory_space<vmem>>) target_semaphore(%arg15 : memref<!tpu.dma_semaphore, #tpu.memory_space<semaphore_mem>>)
      } else {
      }
      %mul3A_424 = arith.constant 4 : i32
      %mul3A_425 = arith.muli %mul3A_424, %scan3A_216 : i32
      %add3A_426 = arith.constant 3 : i32
      %add3A_427 = arith.addi %mul3A_425, %add3A_426 : i32
      %ge3A_428 = arith.constant 1 : i32
      %ge3A_429 = arith.cmpi sge, %add3A_427, %ge3A_428 : i32
      %convert_element_type3A_430 = arith.extui %ge3A_429 : i1 to i32
      %cond3A_431 = arith.constant 0 : i32
      %cond3A_432 = arith.cmpi ne, %convert_element_type3A_430, %cond3A_431 : i32
      scf.if %cond3A_432 {
        %dma_wait3A_494 = arith.constant 1 : i32
        %dma_wait3A_495 = arith.constant 0 : i32
        %dma_wait3A_496 = tpu.memref_slice %arg8[%dma_wait3A_494, %dma_wait3A_495] : memref<2x128xi32, #tpu.memory_space<vmem>> -> memref<1x128xi32, #tpu.memory_space<vmem>>
        %dma_wait3A_497 = tpu.memref_squeeze %dma_wait3A_496 : memref<1x128xi32, #tpu.memory_space<vmem>> -> memref<128xi32, #tpu.memory_space<vmem>>
        %dma_wait3A_498 = arith.constant 0 : i32
        %dma_wait3A_499 = arith.constant 0 : i32
        %dma_wait3A_500 = tpu.memref_slice %arg14[%dma_wait3A_498, %dma_wait3A_499] : memref<10240x128xf32, #tpu.memory_space<vmem_shared>> -> memref<10240x128xf32, #tpu.memory_space<vmem_shared>>
        tpu.wait_indirect_dma semaphore(%arg21 : memref<!tpu.dma_semaphore, #tpu.memory_space<semaphore_mem>>) src(%arg10 : memref<128x128xf32, #tpu.memory_space<vmem>>) dst(%dma_wait3A_500 : memref<10240x128xf32, #tpu.memory_space<vmem_shared>>)
      } else {
      }
      %add3A_433 = arith.constant 1 : i32
      %add3A_434 = arith.addi %add3A_427, %add3A_433 : i32
      %lt3A_435 = arith.constant 78 : i32
      %lt3A_436 = arith.cmpi slt, %add3A_434, %lt3A_435 : i32
      %convert_element_type3A_437 = arith.extui %lt3A_436 : i1 to i32
      %cond3A_438 = arith.constant 0 : i32
      %cond3A_439 = arith.cmpi ne, %convert_element_type3A_437, %cond3A_438 : i32
      scf.if %cond3A_439 {
        %add3A_494 = arith.constant 1 : i32
        %add3A_495 = arith.addi %add3A_427, %add3A_494 : i32
        %add3A_496 = arith.addi %mul3A_4, %add3A_495 : i32
        %mul3A_497 = arith.constant 128 : i32
        %mul3A_498 = arith.muli %add3A_496, %mul3A_497 : i32
        %multiple_of3A_499 = tpu.assume_multiple %mul3A_498, 128 : i32
        %dma_wait3A_500 = arith.constant 0 : i32
        %dma_wait3A_501 = tpu.memref_slice %arg3[%dma_wait3A_500, %multiple_of3A_499] : memref<2x320000xi32, #tpu.memory_space<hbm>> -> memref<2x128xi32, #tpu.memory_space<hbm>>
        %dma_wait3A_502 = arith.constant 0 : i32
        %dma_wait3A_503 = tpu.memref_slice %arg3[%dma_wait3A_502, %multiple_of3A_499] : memref<2x320000xi32, #tpu.memory_space<hbm>> -> memref<2x128xi32, #tpu.memory_space<hbm>>
        tpu.wait_dma2 semaphore(%arg15 : memref<!tpu.dma_semaphore, #tpu.memory_space<semaphore_mem>>) src(%dma_wait3A_503 : memref<2x128xi32, #tpu.memory_space<hbm>>) dst(%arg6 : memref<2x128xi32, #tpu.memory_space<vmem>>)
        %dma_start3A_504 = arith.constant 0 : i32
        %dma_start3A_505 = arith.constant 0 : i32
        %dma_start3A_506 = tpu.memref_slice %arg6[%dma_start3A_504, %dma_start3A_505] : memref<2x128xi32, #tpu.memory_space<vmem>> -> memref<1x128xi32, #tpu.memory_space<vmem>>
        %dma_start3A_507 = tpu.memref_squeeze %dma_start3A_506 : memref<1x128xi32, #tpu.memory_space<vmem>> -> memref<128xi32, #tpu.memory_space<vmem>>
        %dma_start3A_508 = arith.constant 0 : i32
        %dma_start3A_509 = arith.constant 0 : i32
        %dma_start3A_510 = tpu.memref_slice %arg2[%dma_start3A_508, %dma_start3A_509] : memref<10000x128xf32, #tpu.memory_space<hbm>> -> memref<10000x128xf32, #tpu.memory_space<hbm>>
        tpu.enqueue_indirect_dma source(%dma_start3A_510 : memref<10000x128xf32, #tpu.memory_space<hbm>>) target(%arg10 : memref<128x128xf32, #tpu.memory_space<vmem>>) offsets(%dma_start3A_507 : memref<128xi32, #tpu.memory_space<vmem>>) semaphore(%arg19 : memref<!tpu.dma_semaphore, #tpu.memory_space<semaphore_mem>>)
      } else {
      }
      %dma_wait3A_440 = arith.constant 0 : i32
      %dma_wait3A_441 = arith.constant 0 : i32
      %dma_wait3A_442 = tpu.memref_slice %arg9[%dma_wait3A_440, %dma_wait3A_441] : memref<2x128xi32, #tpu.memory_space<vmem>> -> memref<1x128xi32, #tpu.memory_space<vmem>>
      %dma_wait3A_443 = tpu.memref_squeeze %dma_wait3A_442 : memref<1x128xi32, #tpu.memory_space<vmem>> -> memref<128xi32, #tpu.memory_space<vmem>>
      %dma_wait3A_444 = arith.constant 0 : i32
      %dma_wait3A_445 = arith.constant 0 : i32
      %dma_wait3A_446 = tpu.memref_slice %arg2[%dma_wait3A_444, %dma_wait3A_445] : memref<10000x128xf32, #tpu.memory_space<hbm>> -> memref<10000x128xf32, #tpu.memory_space<hbm>>
      tpu.wait_indirect_dma semaphore(%arg20 : memref<!tpu.dma_semaphore, #tpu.memory_space<semaphore_mem>>) src(%dma_wait3A_446 : memref<10000x128xf32, #tpu.memory_space<hbm>>) dst(%arg11 : memref<128x128xf32, #tpu.memory_space<vmem>>)
      %dma_start3A_447 = arith.constant 1 : i32
      %dma_start3A_448 = arith.constant 0 : i32
      %dma_start3A_449 = tpu.memref_slice %arg9[%dma_start3A_447, %dma_start3A_448] : memref<2x128xi32, #tpu.memory_space<vmem>> -> memref<1x128xi32, #tpu.memory_space<vmem>>
      %dma_start3A_450 = tpu.memref_squeeze %dma_start3A_449 : memref<1x128xi32, #tpu.memory_space<vmem>> -> memref<128xi32, #tpu.memory_space<vmem>>
      %dma_start3A_451 = arith.constant 0 : i32
      %dma_start3A_452 = arith.constant 0 : i32
      %dma_start3A_453 = tpu.memref_slice %arg14[%dma_start3A_451, %dma_start3A_452] : memref<10240x128xf32, #tpu.memory_space<vmem_shared>> -> memref<10240x128xf32, #tpu.memory_space<vmem_shared>>
      tpu.enqueue_indirect_dma source(%arg11 : memref<128x128xf32, #tpu.memory_space<vmem>>) target(%dma_start3A_453 : memref<10240x128xf32, #tpu.memory_space<vmem_shared>>) offsets(%dma_start3A_450 : memref<128xi32, #tpu.memory_space<vmem>>) semaphore(%arg22 : memref<!tpu.dma_semaphore, #tpu.memory_space<semaphore_mem>>) {add = true}
      %get3A_454 = arith.constant 1 : i32
      %get3A_455 = arith.index_cast %get3A_454 : i32 to index
      %get3A_456 = arith.constant 0 : index
      %get3A_457 = tpu.vector_load %arg9[%get3A_455, %get3A_456] {strides = array<i32>} : memref<2x128xi32, #tpu.memory_space<vmem>>, vector<16xi32>,
      tpu.vector_store_idx %arg13[%get3A_457], %broadcast_in_dim3A_63 {add = true} : memref<10240xf32, #tpu.memory_space<vmem>>[vector<16xi32>], vector<16xf32>,
      %get3A_458 = arith.constant 1 : i32
      %get3A_459 = arith.index_cast %get3A_458 : i32 to index
      %get3A_460 = arith.constant 16 : index
      %get3A_461 = tpu.vector_load %arg9[%get3A_459, %get3A_460] {strides = array<i32>} : memref<2x128xi32, #tpu.memory_space<vmem>>, vector<16xi32>,
      tpu.vector_store_idx %arg13[%get3A_461], %broadcast_in_dim3A_63 {add = true} : memref<10240xf32, #tpu.memory_space<vmem>>[vector<16xi32>], vector<16xf32>,
      %get3A_462 = arith.constant 1 : i32
      %get3A_463 = arith.index_cast %get3A_462 : i32 to index
      %get3A_464 = arith.constant 32 : index
      %get3A_465 = tpu.vector_load %arg9[%get3A_463, %get3A_464] {strides = array<i32>} : memref<2x128xi32, #tpu.memory_space<vmem>>, vector<16xi32>,
      tpu.vector_store_idx %arg13[%get3A_465], %broadcast_in_dim3A_63 {add = true} : memref<10240xf32, #tpu.memory_space<vmem>>[vector<16xi32>], vector<16xf32>,
      %get3A_466 = arith.constant 1 : i32
      %get3A_467 = arith.index_cast %get3A_466 : i32 to index
      %get3A_468 = arith.constant 48 : index
      %get3A_469 = tpu.vector_load %arg9[%get3A_467, %get3A_468] {strides = array<i32>} : memref<2x128xi32, #tpu.memory_space<vmem>>, vector<16xi32>,
      tpu.vector_store_idx %arg13[%get3A_469], %broadcast_in_dim3A_63 {add = true} : memref<10240xf32, #tpu.memory_space<vmem>>[vector<16xi32>], vector<16xf32>,
      %get3A_470 = arith.constant 1 : i32
      %get3A_471 = arith.index_cast %get3A_470 : i32 to index
      %get3A_472 = arith.constant 64 : index
      %get3A_473 = tpu.vector_load %arg9[%get3A_471, %get3A_472] {strides = array<i32>} : memref<2x128xi32, #tpu.memory_space<vmem>>, vector<16xi32>,
      tpu.vector_store_idx %arg13[%get3A_473], %broadcast_in_dim3A_63 {add = true} : memref<10240xf32, #tpu.memory_space<vmem>>[vector<16xi32>], vector<16xf32>,
      %get3A_474 = arith.constant 1 : i32
      %get3A_475 = arith.index_cast %get3A_474 : i32 to index
      %get3A_476 = arith.constant 80 : index
      %get3A_477 = tpu.vector_load %arg9[%get3A_475, %get3A_476] {strides = array<i32>} : memref<2x128xi32, #tpu.memory_space<vmem>>, vector<16xi32>,
      tpu.vector_store_idx %arg13[%get3A_477], %broadcast_in_dim3A_63 {add = true} : memref<10240xf32, #tpu.memory_space<vmem>>[vector<16xi32>], vector<16xf32>,
      %get3A_478 = arith.constant 1 : i32
      %get3A_479 = arith.index_cast %get3A_478 : i32 to index
      %get3A_480 = arith.constant 96 : index
      %get3A_481 = tpu.vector_load %arg9[%get3A_479, %get3A_480] {strides = array<i32>} : memref<2x128xi32, #tpu.memory_space<vmem>>, vector<16xi32>,
      tpu.vector_store_idx %arg13[%get3A_481], %broadcast_in_dim3A_63 {add = true} : memref<10240xf32, #tpu.memory_space<vmem>>[vector<16xi32>], vector<16xf32>,
      %get3A_482 = arith.constant 1 : i32
      %get3A_483 = arith.index_cast %get3A_482 : i32 to index
      %get3A_484 = arith.constant 112 : index
      %get3A_485 = tpu.vector_load %arg9[%get3A_483, %get3A_484] {strides = array<i32>} : memref<2x128xi32, #tpu.memory_space<vmem>>, vector<16xi32>,
      tpu.vector_store_idx %arg13[%get3A_485], %broadcast_in_dim3A_63 {add = true} : memref<10240xf32, #tpu.memory_space<vmem>>[vector<16xi32>], vector<16xf32>,
      %add3A_486 = arith.constant 2 : i32
      %add3A_487 = arith.addi %add3A_427, %add3A_486 : i32
      %lt3A_488 = arith.constant 78 : i32
      %lt3A_489 = arith.cmpi slt, %add3A_487, %lt3A_488 : i32
      %convert_element_type3A_490 = arith.extui %lt3A_489 : i1 to i32
      %cond3A_491 = arith.constant 0 : i32
      %cond3A_492 = arith.cmpi ne, %convert_element_type3A_490, %cond3A_491 : i32
      scf.if %cond3A_492 {
        %add3A_494 = arith.constant 2 : i32
        %add3A_495 = arith.addi %add3A_427, %add3A_494 : i32
        %add3A_496 = arith.addi %mul3A_4, %add3A_495 : i32
        %mul3A_497 = arith.constant 128 : i32
        %mul3A_498 = arith.muli %add3A_496, %mul3A_497 : i32
        %multiple_of3A_499 = tpu.assume_multiple %mul3A_498, 128 : i32
        %dma_start3A_500 = arith.constant 0 : i32
        %dma_start3A_501 = tpu.memref_slice %arg3[%dma_start3A_500, %multiple_of3A_499] : memref<2x320000xi32, #tpu.memory_space<hbm>> -> memref<2x128xi32, #tpu.memory_space<hbm>>
        %dma_start3A_502 = arith.constant 0 : i32
        %dma_start3A_503 = tpu.memref_slice %arg3[%dma_start3A_502, %multiple_of3A_499] : memref<2x320000xi32, #tpu.memory_space<hbm>> -> memref<2x128xi32, #tpu.memory_space<hbm>>
        tpu.enqueue_dma source(%dma_start3A_503 : memref<2x128xi32, #tpu.memory_space<hbm>>) target(%arg7 : memref<2x128xi32, #tpu.memory_space<vmem>>) target_semaphore(%arg16 : memref<!tpu.dma_semaphore, #tpu.memory_space<semaphore_mem>>)
      } else {
      }
      %scan3A_493 = arith.constant 0 : i32
      scf.yield %scan3A_493 : i32
    }
    %scan3A_70 = arith.constant 19 : i32
    %dma_wait3A_71 = arith.constant 1 : i32
    %dma_wait3A_72 = arith.constant 0 : i32
    %dma_wait3A_73 = tpu.memref_slice %arg9[%dma_wait3A_71, %dma_wait3A_72] : memref<2x128xi32, #tpu.memory_space<vmem>> -> memref<1x128xi32, #tpu.memory_space<vmem>>
    %dma_wait3A_74 = tpu.memref_squeeze %dma_wait3A_73 : memref<1x128xi32, #tpu.memory_space<vmem>> -> memref<128xi32, #tpu.memory_space<vmem>>
    %dma_wait3A_75 = arith.constant 0 : i32
    %dma_wait3A_76 = arith.constant 0 : i32
    %dma_wait3A_77 = tpu.memref_slice %arg14[%dma_wait3A_75, %dma_wait3A_76] : memref<10240x128xf32, #tpu.memory_space<vmem_shared>> -> memref<10240x128xf32, #tpu.memory_space<vmem_shared>>
    tpu.wait_indirect_dma semaphore(%arg22 : memref<!tpu.dma_semaphore, #tpu.memory_space<semaphore_mem>>) src(%arg11 : memref<128x128xf32, #tpu.memory_space<vmem>>) dst(%dma_wait3A_77 : memref<10240x128xf32, #tpu.memory_space<vmem_shared>>)
    %add3A_78 = arith.constant 77 : i32
    %add3A_79 = arith.addi %mul3A_4, %add3A_78 : i32
    %mul3A_80 = arith.constant 128 : i32
    %mul3A_81 = arith.muli %add3A_79, %mul3A_80 : i32
    %multiple_of3A_82 = tpu.assume_multiple %mul3A_81, 128 : i32
    %dma_wait3A_83 = arith.constant 0 : i32
    %dma_wait3A_84 = tpu.memref_slice %arg3[%dma_wait3A_83, %multiple_of3A_82] : memref<2x320000xi32, #tpu.memory_space<hbm>> -> memref<2x128xi32, #tpu.memory_space<hbm>>
    %dma_wait3A_85 = arith.constant 0 : i32
    %dma_wait3A_86 = tpu.memref_slice %arg3[%dma_wait3A_85, %multiple_of3A_82] : memref<2x320000xi32, #tpu.memory_space<hbm>> -> memref<2x128xi32, #tpu.memory_space<hbm>>
    tpu.wait_dma2 semaphore(%arg16 : memref<!tpu.dma_semaphore, #tpu.memory_space<semaphore_mem>>) src(%dma_wait3A_86 : memref<2x128xi32, #tpu.memory_space<hbm>>) dst(%arg7 : memref<2x128xi32, #tpu.memory_space<vmem>>)
    %dma_start3A_87 = arith.constant 0 : i32
    %dma_start3A_88 = arith.constant 0 : i32
    %dma_start3A_89 = tpu.memref_slice %arg7[%dma_start3A_87, %dma_start3A_88] : memref<2x128xi32, #tpu.memory_space<vmem>> -> memref<1x128xi32, #tpu.memory_space<vmem>>
    %dma_start3A_90 = tpu.memref_squeeze %dma_start3A_89 : memref<1x128xi32, #tpu.memory_space<vmem>> -> memref<128xi32, #tpu.memory_space<vmem>>
    %dma_start3A_91 = arith.constant 0 : i32
    %dma_start3A_92 = arith.constant 0 : i32
    %dma_start3A_93 = tpu.memref_slice %arg2[%dma_start3A_91, %dma_start3A_92] : memref<10000x128xf32, #tpu.memory_space<hbm>> -> memref<10000x128xf32, #tpu.memory_space<hbm>>
    tpu.enqueue_indirect_dma source(%dma_start3A_93 : memref<10000x128xf32, #tpu.memory_space<hbm>>) target(%arg11 : memref<128x128xf32, #tpu.memory_space<vmem>>) offsets(%dma_start3A_90 : memref<128xi32, #tpu.memory_space<vmem>>) semaphore(%arg20 : memref<!tpu.dma_semaphore, #tpu.memory_space<semaphore_mem>>)
    %dma_wait3A_94 = arith.constant 0 : i32
    %dma_wait3A_95 = arith.constant 0 : i32
    %dma_wait3A_96 = tpu.memref_slice %arg6[%dma_wait3A_94, %dma_wait3A_95] : memref<2x128xi32, #tpu.memory_space<vmem>> -> memref<1x128xi32, #tpu.memory_space<vmem>>
    %dma_wait3A_97 = tpu.memref_squeeze %dma_wait3A_96 : memref<1x128xi32, #tpu.memory_space<vmem>> -> memref<128xi32, #tpu.memory_space<vmem>>
    %dma_wait3A_98 = arith.constant 0 : i32
    %dma_wait3A_99 = arith.constant 0 : i32
    %dma_wait3A_100 = tpu.memref_slice %arg2[%dma_wait3A_98, %dma_wait3A_99] : memref<10000x128xf32, #tpu.memory_space<hbm>> -> memref<10000x128xf32, #tpu.memory_space<hbm>>
    tpu.wait_indirect_dma semaphore(%arg19 : memref<!tpu.dma_semaphore, #tpu.memory_space<semaphore_mem>>) src(%dma_wait3A_100 : memref<10000x128xf32, #tpu.memory_space<hbm>>) dst(%arg10 : memref<128x128xf32, #tpu.memory_space<vmem>>)
    %dma_start3A_101 = arith.constant 1 : i32
    %dma_start3A_102 = arith.constant 0 : i32
    %dma_start3A_103 = tpu.memref_slice %arg6[%dma_start3A_101, %dma_start3A_102] : memref<2x128xi32, #tpu.memory_space<vmem>> -> memref<1x128xi32, #tpu.memory_space<vmem>>
    %dma_start3A_104 = tpu.memref_squeeze %dma_start3A_103 : memref<1x128xi32, #tpu.memory_space<vmem>> -> memref<128xi32, #tpu.memory_space<vmem>>
    %dma_start3A_105 = arith.constant 0 : i32
    %dma_start3A_106 = arith.constant 0 : i32
    %dma_start3A_107 = tpu.memref_slice %arg14[%dma_start3A_105, %dma_start3A_106] : memref<10240x128xf32, #tpu.memory_space<vmem_shared>> -> memref<10240x128xf32, #tpu.memory_space<vmem_shared>>
    tpu.enqueue_indirect_dma source(%arg10 : memref<128x128xf32, #tpu.memory_space<vmem>>) target(%dma_start3A_107 : memref<10240x128xf32, #tpu.memory_space<vmem_shared>>) offsets(%dma_start3A_104 : memref<128xi32, #tpu.memory_space<vmem>>) semaphore(%arg21 : memref<!tpu.dma_semaphore, #tpu.memory_space<semaphore_mem>>) {add = true}
    %get3A = arith.constant 1 : i32
    %get3A_108 = arith.index_cast %get3A : i32 to index
    %get3A_109 = arith.constant 0 : index
    %get3A_110 = tpu.vector_load %arg6[%get3A_108, %get3A_109] {strides = array<i32>} : memref<2x128xi32, #tpu.memory_space<vmem>>, vector<16xi32>,
    tpu.vector_store_idx %arg13[%get3A_110], %broadcast_in_dim3A_63 {add = true} : memref<10240xf32, #tpu.memory_space<vmem>>[vector<16xi32>], vector<16xf32>,
    %get3A_111 = arith.constant 1 : i32
    %get3A_112 = arith.index_cast %get3A_111 : i32 to index
    %get3A_113 = arith.constant 16 : index
    %get3A_114 = tpu.vector_load %arg6[%get3A_112, %get3A_113] {strides = array<i32>} : memref<2x128xi32, #tpu.memory_space<vmem>>, vector<16xi32>,
    tpu.vector_store_idx %arg13[%get3A_114], %broadcast_in_dim3A_63 {add = true} : memref<10240xf32, #tpu.memory_space<vmem>>[vector<16xi32>], vector<16xf32>,
    %get3A_115 = arith.constant 1 : i32
    %get3A_116 = arith.index_cast %get3A_115 : i32 to index
    %get3A_117 = arith.constant 32 : index
    %get3A_118 = tpu.vector_load %arg6[%get3A_116, %get3A_117] {strides = array<i32>} : memref<2x128xi32, #tpu.memory_space<vmem>>, vector<16xi32>,
    tpu.vector_store_idx %arg13[%get3A_118], %broadcast_in_dim3A_63 {add = true} : memref<10240xf32, #tpu.memory_space<vmem>>[vector<16xi32>], vector<16xf32>,
    %get3A_119 = arith.constant 1 : i32
    %get3A_120 = arith.index_cast %get3A_119 : i32 to index
    %get3A_121 = arith.constant 48 : index
    %get3A_122 = tpu.vector_load %arg6[%get3A_120, %get3A_121] {strides = array<i32>} : memref<2x128xi32, #tpu.memory_space<vmem>>, vector<16xi32>,
    tpu.vector_store_idx %arg13[%get3A_122], %broadcast_in_dim3A_63 {add = true} : memref<10240xf32, #tpu.memory_space<vmem>>[vector<16xi32>], vector<16xf32>,
    %get3A_123 = arith.constant 1 : i32
    %get3A_124 = arith.index_cast %get3A_123 : i32 to index
    %get3A_125 = arith.constant 64 : index
    %get3A_126 = tpu.vector_load %arg6[%get3A_124, %get3A_125] {strides = array<i32>} : memref<2x128xi32, #tpu.memory_space<vmem>>, vector<16xi32>,
    tpu.vector_store_idx %arg13[%get3A_126], %broadcast_in_dim3A_63 {add = true} : memref<10240xf32, #tpu.memory_space<vmem>>[vector<16xi32>], vector<16xf32>,
    %get3A_127 = arith.constant 1 : i32
    %get3A_128 = arith.index_cast %get3A_127 : i32 to index
    %get3A_129 = arith.constant 80 : index
    %get3A_130 = tpu.vector_load %arg6[%get3A_128, %get3A_129] {strides = array<i32>} : memref<2x128xi32, #tpu.memory_space<vmem>>, vector<16xi32>,
    tpu.vector_store_idx %arg13[%get3A_130], %broadcast_in_dim3A_63 {add = true} : memref<10240xf32, #tpu.memory_space<vmem>>[vector<16xi32>], vector<16xf32>,
    %get3A_131 = arith.constant 1 : i32
    %get3A_132 = arith.index_cast %get3A_131 : i32 to index
    %get3A_133 = arith.constant 96 : index
    %get3A_134 = tpu.vector_load %arg6[%get3A_132, %get3A_133] {strides = array<i32>} : memref<2x128xi32, #tpu.memory_space<vmem>>, vector<16xi32>,
    tpu.vector_store_idx %arg13[%get3A_134], %broadcast_in_dim3A_63 {add = true} : memref<10240xf32, #tpu.memory_space<vmem>>[vector<16xi32>], vector<16xf32>,
    %get3A_135 = arith.constant 1 : i32
    %get3A_136 = arith.index_cast %get3A_135 : i32 to index
    %get3A_137 = arith.constant 112 : index
    %get3A_138 = tpu.vector_load %arg6[%get3A_136, %get3A_137] {strides = array<i32>} : memref<2x128xi32, #tpu.memory_space<vmem>>, vector<16xi32>,
    tpu.vector_store_idx %arg13[%get3A_138], %broadcast_in_dim3A_63 {add = true} : memref<10240xf32, #tpu.memory_space<vmem>>[vector<16xi32>], vector<16xf32>,
    %dma_wait3A_139 = arith.constant 1 : i32
    %dma_wait3A_140 = arith.constant 0 : i32
    %dma_wait3A_141 = tpu.memref_slice %arg6[%dma_wait3A_139, %dma_wait3A_140] : memref<2x128xi32, #tpu.memory_space<vmem>> -> memref<1x128xi32, #tpu.memory_space<vmem>>
    %dma_wait3A_142 = tpu.memref_squeeze %dma_wait3A_141 : memref<1x128xi32, #tpu.memory_space<vmem>> -> memref<128xi32, #tpu.memory_space<vmem>>
    %dma_wait3A_143 = arith.constant 0 : i32
    %dma_wait3A_144 = arith.constant 0 : i32
    %dma_wait3A_145 = tpu.memref_slice %arg14[%dma_wait3A_143, %dma_wait3A_144] : memref<10240x128xf32, #tpu.memory_space<vmem_shared>> -> memref<10240x128xf32, #tpu.memory_space<vmem_shared>>
    tpu.wait_indirect_dma semaphore(%arg21 : memref<!tpu.dma_semaphore, #tpu.memory_space<semaphore_mem>>) src(%arg10 : memref<128x128xf32, #tpu.memory_space<vmem>>) dst(%dma_wait3A_145 : memref<10240x128xf32, #tpu.memory_space<vmem_shared>>)
    %dma_wait3A_146 = arith.constant 0 : i32
    %dma_wait3A_147 = arith.constant 0 : i32
    %dma_wait3A_148 = tpu.memref_slice %arg7[%dma_wait3A_146, %dma_wait3A_147] : memref<2x128xi32, #tpu.memory_space<vmem>> -> memref<1x128xi32, #tpu.memory_space<vmem>>
    %dma_wait3A_149 = tpu.memref_squeeze %dma_wait3A_148 : memref<1x128xi32, #tpu.memory_space<vmem>> -> memref<128xi32, #tpu.memory_space<vmem>>
    %dma_wait3A_150 = arith.constant 0 : i32
    %dma_wait3A_151 = arith.constant 0 : i32
    %dma_wait3A_152 = tpu.memref_slice %arg2[%dma_wait3A_150, %dma_wait3A_151] : memref<10000x128xf32, #tpu.memory_space<hbm>> -> memref<10000x128xf32, #tpu.memory_space<hbm>>
    tpu.wait_indirect_dma semaphore(%arg20 : memref<!tpu.dma_semaphore, #tpu.memory_space<semaphore_mem>>) src(%dma_wait3A_152 : memref<10000x128xf32, #tpu.memory_space<hbm>>) dst(%arg11 : memref<128x128xf32, #tpu.memory_space<vmem>>)
    %dma_start3A_153 = arith.constant 1 : i32
    %dma_start3A_154 = arith.constant 0 : i32
    %dma_start3A_155 = tpu.memref_slice %arg7[%dma_start3A_153, %dma_start3A_154] : memref<2x128xi32, #tpu.memory_space<vmem>> -> memref<1x128xi32, #tpu.memory_space<vmem>>
    %dma_start3A_156 = tpu.memref_squeeze %dma_start3A_155 : memref<1x128xi32, #tpu.memory_space<vmem>> -> memref<128xi32, #tpu.memory_space<vmem>>
    %dma_start3A_157 = arith.constant 0 : i32
    %dma_start3A_158 = arith.constant 0 : i32
    %dma_start3A_159 = tpu.memref_slice %arg14[%dma_start3A_157, %dma_start3A_158] : memref<10240x128xf32, #tpu.memory_space<vmem_shared>> -> memref<10240x128xf32, #tpu.memory_space<vmem_shared>>
    tpu.enqueue_indirect_dma source(%arg11 : memref<128x128xf32, #tpu.memory_space<vmem>>) target(%dma_start3A_159 : memref<10240x128xf32, #tpu.memory_space<vmem_shared>>) offsets(%dma_start3A_156 : memref<128xi32, #tpu.memory_space<vmem>>) semaphore(%arg22 : memref<!tpu.dma_semaphore, #tpu.memory_space<semaphore_mem>>) {add = true}
    %get3A_160 = arith.constant 1 : i32
    %get3A_161 = arith.index_cast %get3A_160 : i32 to index
    %get3A_162 = arith.constant 0 : index
    %get3A_163 = tpu.vector_load %arg7[%get3A_161, %get3A_162] {strides = array<i32>} : memref<2x128xi32, #tpu.memory_space<vmem>>, vector<16xi32>,
    tpu.vector_store_idx %arg13[%get3A_163], %broadcast_in_dim3A_63 {add = true} : memref<10240xf32, #tpu.memory_space<vmem>>[vector<16xi32>], vector<16xf32>,
    %get3A_164 = arith.constant 1 : i32
    %get3A_165 = arith.index_cast %get3A_164 : i32 to index
    %get3A_166 = arith.constant 16 : index
    %get3A_167 = tpu.vector_load %arg7[%get3A_165, %get3A_166] {strides = array<i32>} : memref<2x128xi32, #tpu.memory_space<vmem>>, vector<16xi32>,
    tpu.vector_store_idx %arg13[%get3A_167], %broadcast_in_dim3A_63 {add = true} : memref<10240xf32, #tpu.memory_space<vmem>>[vector<16xi32>], vector<16xf32>,
    %get3A_168 = arith.constant 1 : i32
    %get3A_169 = arith.index_cast %get3A_168 : i32 to index
    %get3A_170 = arith.constant 32 : index
    %get3A_171 = tpu.vector_load %arg7[%get3A_169, %get3A_170] {strides = array<i32>} : memref<2x128xi32, #tpu.memory_space<vmem>>, vector<16xi32>,
    tpu.vector_store_idx %arg13[%get3A_171], %broadcast_in_dim3A_63 {add = true} : memref<10240xf32, #tpu.memory_space<vmem>>[vector<16xi32>], vector<16xf32>,
    %get3A_172 = arith.constant 1 : i32
    %get3A_173 = arith.index_cast %get3A_172 : i32 to index
    %get3A_174 = arith.constant 48 : index
    %get3A_175 = tpu.vector_load %arg7[%get3A_173, %get3A_174] {strides = array<i32>} : memref<2x128xi32, #tpu.memory_space<vmem>>, vector<16xi32>,
    tpu.vector_store_idx %arg13[%get3A_175], %broadcast_in_dim3A_63 {add = true} : memref<10240xf32, #tpu.memory_space<vmem>>[vector<16xi32>], vector<16xf32>,
    %get3A_176 = arith.constant 1 : i32
    %get3A_177 = arith.index_cast %get3A_176 : i32 to index
    %get3A_178 = arith.constant 64 : index
    %get3A_179 = tpu.vector_load %arg7[%get3A_177, %get3A_178] {strides = array<i32>} : memref<2x128xi32, #tpu.memory_space<vmem>>, vector<16xi32>,
    tpu.vector_store_idx %arg13[%get3A_179], %broadcast_in_dim3A_63 {add = true} : memref<10240xf32, #tpu.memory_space<vmem>>[vector<16xi32>], vector<16xf32>,
    %get3A_180 = arith.constant 1 : i32
    %get3A_181 = arith.index_cast %get3A_180 : i32 to index
    %get3A_182 = arith.constant 80 : index
    %get3A_183 = tpu.vector_load %arg7[%get3A_181, %get3A_182] {strides = array<i32>} : memref<2x128xi32, #tpu.memory_space<vmem>>, vector<16xi32>,
    tpu.vector_store_idx %arg13[%get3A_183], %broadcast_in_dim3A_63 {add = true} : memref<10240xf32, #tpu.memory_space<vmem>>[vector<16xi32>], vector<16xf32>,
    %get3A_184 = arith.constant 1 : i32
    %get3A_185 = arith.index_cast %get3A_184 : i32 to index
    %get3A_186 = arith.constant 96 : index
    %get3A_187 = tpu.vector_load %arg7[%get3A_185, %get3A_186] {strides = array<i32>} : memref<2x128xi32, #tpu.memory_space<vmem>>, vector<16xi32>,
    tpu.vector_store_idx %arg13[%get3A_187], %broadcast_in_dim3A_63 {add = true} : memref<10240xf32, #tpu.memory_space<vmem>>[vector<16xi32>], vector<16xf32>,
    %get3A_188 = arith.constant 1 : i32
    %get3A_189 = arith.index_cast %get3A_188 : i32 to index
    %get3A_190 = arith.constant 112 : index
    %get3A_191 = tpu.vector_load %arg7[%get3A_189, %get3A_190] {strides = array<i32>} : memref<2x128xi32, #tpu.memory_space<vmem>>, vector<16xi32>,
    tpu.vector_store_idx %arg13[%get3A_191], %broadcast_in_dim3A_63 {add = true} : memref<10240xf32, #tpu.memory_space<vmem>>[vector<16xi32>], vector<16xf32>,
    %dma_wait3A_192 = arith.constant 1 : i32
    %dma_wait3A_193 = arith.constant 0 : i32
    %dma_wait3A_194 = tpu.memref_slice %arg7[%dma_wait3A_192, %dma_wait3A_193] : memref<2x128xi32, #tpu.memory_space<vmem>> -> memref<1x128xi32, #tpu.memory_space<vmem>>
    %dma_wait3A_195 = tpu.memref_squeeze %dma_wait3A_194 : memref<1x128xi32, #tpu.memory_space<vmem>> -> memref<128xi32, #tpu.memory_space<vmem>>
    %dma_wait3A_196 = arith.constant 0 : i32
    %dma_wait3A_197 = arith.constant 0 : i32
    %dma_wait3A_198 = tpu.memref_slice %arg14[%dma_wait3A_196, %dma_wait3A_197] : memref<10240x128xf32, #tpu.memory_space<vmem_shared>> -> memref<10240x128xf32, #tpu.memory_space<vmem_shared>>
    tpu.wait_indirect_dma semaphore(%arg22 : memref<!tpu.dma_semaphore, #tpu.memory_space<semaphore_mem>>) src(%arg11 : memref<128x128xf32, #tpu.memory_space<vmem>>) dst(%dma_wait3A_198 : memref<10240x128xf32, #tpu.memory_space<vmem_shared>>)
    %lt3A = arith.constant 4 : i32
    %lt3A_199 = arith.cmpi slt, %add3A, %lt3A : i32
    %convert_element_type3A = arith.extui %lt3A_199 : i1 to i32
    %cond3A = arith.constant 0 : i32
    %cond3A_200 = arith.cmpi ne, %convert_element_type3A, %cond3A : i32
    scf.if %cond3A_200 {
      %add3A_216 = arith.constant 2496 : i32
      %add3A_217 = arith.addi %add3A_216, %add3A : i32
      %sub3A = arith.subi %add3A_217, %mul3A_4 : i32
      %add3A_218 = arith.addi %mul3A_4, %sub3A : i32
      %mul3A_219 = arith.constant 128 : i32
      %mul3A_220 = arith.muli %add3A_218, %mul3A_219 : i32
      %multiple_of3A_221 = tpu.assume_multiple %mul3A_220, 128 : i32
      %dma_start3A_222 = arith.constant 0 : i32
      %dma_start3A_223 = tpu.memref_slice %arg3[%dma_start3A_222, %multiple_of3A_221] : memref<2x320000xi32, #tpu.memory_space<hbm>> -> memref<2x128xi32, #tpu.memory_space<hbm>>
      %dma_start3A_224 = arith.constant 0 : i32
      %dma_start3A_225 = tpu.memref_slice %arg3[%dma_start3A_224, %multiple_of3A_221] : memref<2x320000xi32, #tpu.memory_space<hbm>> -> memref<2x128xi32, #tpu.memory_space<hbm>>
      tpu.enqueue_dma source(%dma_start3A_225 : memref<2x128xi32, #tpu.memory_space<hbm>>) target(%arg6 : memref<2x128xi32, #tpu.memory_space<vmem>>) target_semaphore(%arg15 : memref<!tpu.dma_semaphore, #tpu.memory_space<semaphore_mem>>)
      %add3A_226 = arith.addi %mul3A_4, %sub3A : i32
      %mul3A_227 = arith.constant 128 : i32
      %mul3A_228 = arith.muli %add3A_226, %mul3A_227 : i32
      %multiple_of3A_229 = tpu.assume_multiple %mul3A_228, 128 : i32
      %dma_wait3A_230 = arith.constant 0 : i32
      %dma_wait3A_231 = tpu.memref_slice %arg3[%dma_wait3A_230, %multiple_of3A_229] : memref<2x320000xi32, #tpu.memory_space<hbm>> -> memref<2x128xi32, #tpu.memory_space<hbm>>
      %dma_wait3A_232 = arith.constant 0 : i32
      %dma_wait3A_233 = tpu.memref_slice %arg3[%dma_wait3A_232, %multiple_of3A_229] : memref<2x320000xi32, #tpu.memory_space<hbm>> -> memref<2x128xi32, #tpu.memory_space<hbm>>
      tpu.wait_dma2 semaphore(%arg15 : memref<!tpu.dma_semaphore, #tpu.memory_space<semaphore_mem>>) src(%dma_wait3A_233 : memref<2x128xi32, #tpu.memory_space<hbm>>) dst(%arg6 : memref<2x128xi32, #tpu.memory_space<vmem>>)
      %dma_start3A_234 = arith.constant 0 : i32
      %dma_start3A_235 = arith.constant 0 : i32
      %dma_start3A_236 = tpu.memref_slice %arg6[%dma_start3A_234, %dma_start3A_235] : memref<2x128xi32, #tpu.memory_space<vmem>> -> memref<1x128xi32, #tpu.memory_space<vmem>>
      %dma_start3A_237 = tpu.memref_squeeze %dma_start3A_236 : memref<1x128xi32, #tpu.memory_space<vmem>> -> memref<128xi32, #tpu.memory_space<vmem>>
      %dma_start3A_238 = arith.constant 0 : i32
      %dma_start3A_239 = arith.constant 0 : i32
      %dma_start3A_240 = tpu.memref_slice %arg2[%dma_start3A_238, %dma_start3A_239] : memref<10000x128xf32, #tpu.memory_space<hbm>> -> memref<10000x128xf32, #tpu.memory_space<hbm>>
      tpu.enqueue_indirect_dma source(%dma_start3A_240 : memref<10000x128xf32, #tpu.memory_space<hbm>>) target(%arg10 : memref<128x128xf32, #tpu.memory_space<vmem>>) offsets(%dma_start3A_237 : memref<128xi32, #tpu.memory_space<vmem>>) semaphore(%arg19 : memref<!tpu.dma_semaphore, #tpu.memory_space<semaphore_mem>>)
      %dma_wait3A_241 = arith.constant 0 : i32
      %dma_wait3A_242 = arith.constant 0 : i32
      %dma_wait3A_243 = tpu.memref_slice %arg6[%dma_wait3A_241, %dma_wait3A_242] : memref<2x128xi32, #tpu.memory_space<vmem>> -> memref<1x128xi32, #tpu.memory_space<vmem>>
      %dma_wait3A_244 = tpu.memref_squeeze %dma_wait3A_243 : memref<1x128xi32, #tpu.memory_space<vmem>> -> memref<128xi32, #tpu.memory_space<vmem>>
      %dma_wait3A_245 = arith.constant 0 : i32
      %dma_wait3A_246 = arith.constant 0 : i32
      %dma_wait3A_247 = tpu.memref_slice %arg2[%dma_wait3A_245, %dma_wait3A_246] : memref<10000x128xf32, #tpu.memory_space<hbm>> -> memref<10000x128xf32, #tpu.memory_space<hbm>>
      tpu.wait_indirect_dma semaphore(%arg19 : memref<!tpu.dma_semaphore, #tpu.memory_space<semaphore_mem>>) src(%dma_wait3A_247 : memref<10000x128xf32, #tpu.memory_space<hbm>>) dst(%arg10 : memref<128x128xf32, #tpu.memory_space<vmem>>)
      %dma_start3A_248 = arith.constant 1 : i32
      %dma_start3A_249 = arith.constant 0 : i32
      %dma_start3A_250 = tpu.memref_slice %arg6[%dma_start3A_248, %dma_start3A_249] : memref<2x128xi32, #tpu.memory_space<vmem>> -> memref<1x128xi32, #tpu.memory_space<vmem>>
      %dma_start3A_251 = tpu.memref_squeeze %dma_start3A_250 : memref<1x128xi32, #tpu.memory_space<vmem>> -> memref<128xi32, #tpu.memory_space<vmem>>
      %dma_start3A_252 = arith.constant 0 : i32
      %dma_start3A_253 = arith.constant 0 : i32
      %dma_start3A_254 = tpu.memref_slice %arg14[%dma_start3A_252, %dma_start3A_253] : memref<10240x128xf32, #tpu.memory_space<vmem_shared>> -> memref<10240x128xf32, #tpu.memory_space<vmem_shared>>
      tpu.enqueue_indirect_dma source(%arg10 : memref<128x128xf32, #tpu.memory_space<vmem>>) target(%dma_start3A_254 : memref<10240x128xf32, #tpu.memory_space<vmem_shared>>) offsets(%dma_start3A_251 : memref<128xi32, #tpu.memory_space<vmem>>) semaphore(%arg21 : memref<!tpu.dma_semaphore, #tpu.memory_space<semaphore_mem>>) {add = true}
      %get3A_255 = arith.constant 1 : i32
      %get3A_256 = arith.index_cast %get3A_255 : i32 to index
      %get3A_257 = arith.constant 0 : index
      %get3A_258 = tpu.vector_load %arg6[%get3A_256, %get3A_257] {strides = array<i32>} : memref<2x128xi32, #tpu.memory_space<vmem>>, vector<16xi32>,
      tpu.vector_store_idx %arg13[%get3A_258], %broadcast_in_dim3A_63 {add = true} : memref<10240xf32, #tpu.memory_space<vmem>>[vector<16xi32>], vector<16xf32>,
      %get3A_259 = arith.constant 1 : i32
      %get3A_260 = arith.index_cast %get3A_259 : i32 to index
      %get3A_261 = arith.constant 16 : index
      %get3A_262 = tpu.vector_load %arg6[%get3A_260, %get3A_261] {strides = array<i32>} : memref<2x128xi32, #tpu.memory_space<vmem>>, vector<16xi32>,
      tpu.vector_store_idx %arg13[%get3A_262], %broadcast_in_dim3A_63 {add = true} : memref<10240xf32, #tpu.memory_space<vmem>>[vector<16xi32>], vector<16xf32>,
      %get3A_263 = arith.constant 1 : i32
      %get3A_264 = arith.index_cast %get3A_263 : i32 to index
      %get3A_265 = arith.constant 32 : index
      %get3A_266 = tpu.vector_load %arg6[%get3A_264, %get3A_265] {strides = array<i32>} : memref<2x128xi32, #tpu.memory_space<vmem>>, vector<16xi32>,
      tpu.vector_store_idx %arg13[%get3A_266], %broadcast_in_dim3A_63 {add = true} : memref<10240xf32, #tpu.memory_space<vmem>>[vector<16xi32>], vector<16xf32>,
      %get3A_267 = arith.constant 1 : i32
      %get3A_268 = arith.index_cast %get3A_267 : i32 to index
      %get3A_269 = arith.constant 48 : index
      %get3A_270 = tpu.vector_load %arg6[%get3A_268, %get3A_269] {strides = array<i32>} : memref<2x128xi32, #tpu.memory_space<vmem>>, vector<16xi32>,
      tpu.vector_store_idx %arg13[%get3A_270], %broadcast_in_dim3A_63 {add = true} : memref<10240xf32, #tpu.memory_space<vmem>>[vector<16xi32>], vector<16xf32>,
      %get3A_271 = arith.constant 1 : i32
      %get3A_272 = arith.index_cast %get3A_271 : i32 to index
      %get3A_273 = arith.constant 64 : index
      %get3A_274 = tpu.vector_load %arg6[%get3A_272, %get3A_273] {strides = array<i32>} : memref<2x128xi32, #tpu.memory_space<vmem>>, vector<16xi32>,
      tpu.vector_store_idx %arg13[%get3A_274], %broadcast_in_dim3A_63 {add = true} : memref<10240xf32, #tpu.memory_space<vmem>>[vector<16xi32>], vector<16xf32>,
      %get3A_275 = arith.constant 1 : i32
      %get3A_276 = arith.index_cast %get3A_275 : i32 to index
      %get3A_277 = arith.constant 80 : index
      %get3A_278 = tpu.vector_load %arg6[%get3A_276, %get3A_277] {strides = array<i32>} : memref<2x128xi32, #tpu.memory_space<vmem>>, vector<16xi32>,
      tpu.vector_store_idx %arg13[%get3A_278], %broadcast_in_dim3A_63 {add = true} : memref<10240xf32, #tpu.memory_space<vmem>>[vector<16xi32>], vector<16xf32>,
      %get3A_279 = arith.constant 1 : i32
      %get3A_280 = arith.index_cast %get3A_279 : i32 to index
      %get3A_281 = arith.constant 96 : index
      %get3A_282 = tpu.vector_load %arg6[%get3A_280, %get3A_281] {strides = array<i32>} : memref<2x128xi32, #tpu.memory_space<vmem>>, vector<16xi32>,
      tpu.vector_store_idx %arg13[%get3A_282], %broadcast_in_dim3A_63 {add = true} : memref<10240xf32, #tpu.memory_space<vmem>>[vector<16xi32>], vector<16xf32>,
      %get3A_283 = arith.constant 1 : i32
      %get3A_284 = arith.index_cast %get3A_283 : i32 to index
      %get3A_285 = arith.constant 112 : index
      %get3A_286 = tpu.vector_load %arg6[%get3A_284, %get3A_285] {strides = array<i32>} : memref<2x128xi32, #tpu.memory_space<vmem>>, vector<16xi32>,
      tpu.vector_store_idx %arg13[%get3A_286], %broadcast_in_dim3A_63 {add = true} : memref<10240xf32, #tpu.memory_space<vmem>>[vector<16xi32>], vector<16xf32>,
      %dma_wait3A_287 = arith.constant 1 : i32
      %dma_wait3A_288 = arith.constant 0 : i32
      %dma_wait3A_289 = tpu.memref_slice %arg6[%dma_wait3A_287, %dma_wait3A_288] : memref<2x128xi32, #tpu.memory_space<vmem>> -> memref<1x128xi32, #tpu.memory_space<vmem>>
      %dma_wait3A_290 = tpu.memref_squeeze %dma_wait3A_289 : memref<1x128xi32, #tpu.memory_space<vmem>> -> memref<128xi32, #tpu.memory_space<vmem>>
      %dma_wait3A_291 = arith.constant 0 : i32
      %dma_wait3A_292 = arith.constant 0 : i32
      %dma_wait3A_293 = tpu.memref_slice %arg14[%dma_wait3A_291, %dma_wait3A_292] : memref<10240x128xf32, #tpu.memory_space<vmem_shared>> -> memref<10240x128xf32, #tpu.memory_space<vmem_shared>>
      tpu.wait_indirect_dma semaphore(%arg21 : memref<!tpu.dma_semaphore, #tpu.memory_space<semaphore_mem>>) src(%arg10 : memref<128x128xf32, #tpu.memory_space<vmem>>) dst(%dma_wait3A_293 : memref<10240x128xf32, #tpu.memory_space<vmem_shared>>)
    } else {
    }
    "tpu.region"() ({
      %run_scoped3A = tpu.sem_alloc : memref<!tpu.dma_semaphore, #tpu.memory_space<semaphore_mem>>
      %dma_start3A_216 = arith.constant 0 : i32
      %dma_start3A_217 = tpu.memref_slice %arg5[%add3A, %dma_start3A_216] : memref<32x10240xf32, #tpu.memory_space<hbm>> -> memref<1x10240xf32, #tpu.memory_space<hbm>>
      %dma_start3A_218 = tpu.memref_squeeze %dma_start3A_217 : memref<1x10240xf32, #tpu.memory_space<hbm>> -> memref<10240xf32, #tpu.memory_space<hbm>>
      %dma_start3A_219 = arith.constant 0 : i32
      %dma_start3A_220 = tpu.memref_slice %arg5[%add3A, %dma_start3A_219] : memref<32x10240xf32, #tpu.memory_space<hbm>> -> memref<1x10240xf32, #tpu.memory_space<hbm>>
      %dma_start3A_221 = tpu.memref_squeeze %dma_start3A_220 : memref<1x10240xf32, #tpu.memory_space<hbm>> -> memref<10240xf32, #tpu.memory_space<hbm>>
      tpu.enqueue_dma source(%arg13 : memref<10240xf32, #tpu.memory_space<vmem>>) target(%dma_start3A_221 : memref<10240xf32, #tpu.memory_space<hbm>>) target_semaphore(%run_scoped3A : memref<!tpu.dma_semaphore, #tpu.memory_space<semaphore_mem>>)
      %dma_wait3A_222 = arith.constant 0 : i32
      %dma_wait3A_223 = tpu.memref_slice %arg5[%add3A, %dma_wait3A_222] : memref<32x10240xf32, #tpu.memory_space<hbm>> -> memref<1x10240xf32, #tpu.memory_space<hbm>>
      %dma_wait3A_224 = tpu.memref_squeeze %dma_wait3A_223 : memref<1x10240xf32, #tpu.memory_space<hbm>> -> memref<10240xf32, #tpu.memory_space<hbm>>
      %dma_wait3A_225 = arith.constant 0 : i32
      %dma_wait3A_226 = tpu.memref_slice %arg5[%add3A, %dma_wait3A_225] : memref<32x10240xf32, #tpu.memory_space<hbm>> -> memref<1x10240xf32, #tpu.memory_space<hbm>>
      %dma_wait3A_227 = tpu.memref_squeeze %dma_wait3A_226 : memref<1x10240xf32, #tpu.memory_space<hbm>> -> memref<10240xf32, #tpu.memory_space<hbm>>
      tpu.wait_dma2 semaphore(%run_scoped3A : memref<!tpu.dma_semaphore, #tpu.memory_space<semaphore_mem>>) src(%arg13 : memref<10240xf32, #tpu.memory_space<vmem>>) dst(%dma_wait3A_227 : memref<10240xf32, #tpu.memory_space<hbm>>)
      tpu.yield
    }) : () -> ()
    %barrier3A_201 = arith.constant 0 : index
    tpu.barrier barrier_id(%barrier3A_201)
    %scan3A_202 = arith.constant 0 : i32
    %scan3A_203 = arith.constant 0 : i32
    %scan3A_204 = arith.constant 4 : i32
    %scan3A_205 = arith.addi %scan3A_203, %scan3A_204 : i32
    %scan3A_206 = arith.constant 1 : i32
    %scan3A_207 = scf.for %scan3A_216 = %scan3A_203 to %scan3A_205 step %scan3A_206 iter_args(%scan3A_217 = %scan3A_202) -> (i32)  : i32 {
      %mul3A_218 = arith.constant 160 : i32
      %mul3A_219 = arith.muli %scan3A_216, %mul3A_218 : i32
      %add3A_220 = arith.addi %mul3A_2, %mul3A_219 : i32
      %dma_start3A_221 = arith.constant 0 : i32
      %dma_start3A_222 = tpu.memref_slice %arg4[%arg0, %add3A_220, %dma_start3A_221] : memref<2x10240x128xf32, #tpu.memory_space<hbm>> -> memref<1x160x128xf32, #tpu.memory_space<hbm>>
      %dma_start3A_223 = tpu.memref_squeeze %dma_start3A_222 : memref<1x160x128xf32, #tpu.memory_space<hbm>> -> memref<160x128xf32, #tpu.memory_space<hbm>>
      %dma_start3A_224 = arith.constant 0 : i32
      %dma_start3A_225 = tpu.memref_slice %arg14[%add3A_220, %dma_start3A_224] : memref<10240x128xf32, #tpu.memory_space<vmem_shared>> -> memref<160x128xf32, #tpu.memory_space<vmem_shared>>
      tpu.enqueue_dma source(%dma_start3A_225 : memref<160x128xf32, #tpu.memory_space<vmem_shared>>) target(%dma_start3A_223 : memref<160x128xf32, #tpu.memory_space<hbm>>) target_semaphore(%arg23 : memref<!tpu.dma_semaphore, #tpu.memory_space<semaphore_mem>>)
      %scan3A_226 = arith.constant 0 : i32
      scf.yield %scan3A_226 : i32
    }
    %scan3A_208 = arith.constant 4 : i32
    %scan3A_209 = arith.constant 0 : i32
    %scan3A_210 = arith.constant 0 : i32
    %scan3A_211 = arith.constant 4 : i32
    %scan3A_212 = arith.addi %scan3A_210, %scan3A_211 : i32
    %scan3A_213 = arith.constant 1 : i32
    %scan3A_214 = scf.for %scan3A_216 = %scan3A_210 to %scan3A_212 step %scan3A_213 iter_args(%scan3A_217 = %scan3A_209) -> (i32)  : i32 {
      %mul3A_218 = arith.constant 160 : i32
      %mul3A_219 = arith.muli %scan3A_216, %mul3A_218 : i32
      %add3A_220 = arith.addi %mul3A_2, %mul3A_219 : i32
      %dma_wait3A_221 = arith.constant 0 : i32
      %dma_wait3A_222 = tpu.memref_slice %arg4[%arg0, %add3A_220, %dma_wait3A_221] : memref<2x10240x128xf32, #tpu.memory_space<hbm>> -> memref<1x160x128xf32, #tpu.memory_space<hbm>>
      %dma_wait3A_223 = tpu.memref_squeeze %dma_wait3A_222 : memref<1x160x128xf32, #tpu.memory_space<hbm>> -> memref<160x128xf32, #tpu.memory_space<hbm>>
      %dma_wait3A_224 = arith.constant 0 : i32
      %dma_wait3A_225 = tpu.memref_slice %arg14[%add3A_220, %dma_wait3A_224] : memref<10240x128xf32, #tpu.memory_space<vmem_shared>> -> memref<160x128xf32, #tpu.memory_space<vmem_shared>>
      tpu.wait_dma2 semaphore(%arg23 : memref<!tpu.dma_semaphore, #tpu.memory_space<semaphore_mem>>) src(%dma_wait3A_225 : memref<160x128xf32, #tpu.memory_space<vmem_shared>>) dst(%dma_wait3A_223 : memref<160x128xf32, #tpu.memory_space<hbm>>)
      %scan3A_226 = arith.constant 0 : i32
      scf.yield %scan3A_226 : i32
    }
    %scan3A_215 = arith.constant 4 : i32
    return
  }
}

module attributes {stable_mosaic.version = 14 : i64} {
  func.func @_tc_pre_body(%arg0: i32, %arg1: memref<1000x128xf32, #tpu.memory_space<vmem>>, %arg2: memref<1xf32, #tpu.memory_space<vmem>>, %arg3: memref<1000x128xf32, #tpu.memory_space<vmem>>) attributes {dimension_semantics = [#tpu.dimension_semantics<arbitrary>], iteration_bounds = array<i64: 10>, scalar_prefetch = 0 : i64, scratch_operands = 0 : i64, tpu.core_type = #tpu.core_type<tc>, window_params = [{transform_indices = @transform_0, window_bounds = array<i64: 1000, 128>}, {pipeline_mode = #tpu.pipeline_mode<synchronous>, transform_indices = @transform_1, window_bounds = array<i64: 1>}, {transform_indices = @transform_2, window_bounds = array<i64: 1000, 128>}]} {
    %get3A = arith.constant 0 : index
    %get3A_0 = arith.constant 0 : index
    %get3A_1 = vector.load %arg1[%get3A, %get3A_0] : memref<1000x128xf32, #tpu.memory_space<vmem>>, vector<1000x128xf32>
    %get3A_2 = arith.constant 0 : index
    %get3A_3 = vector.load %arg2[%get3A_2] : memref<1xf32, #tpu.memory_space<vmem>>, vector<1xf32>
    %abs3A = math.absf %get3A_3 : vector<1xf32>
    %sqrt3A = math.sqrt %abs3A : vector<1xf32>
    %mul3A = arith.mulf %get3A_1, %get3A_1 : vector<1000x128xf32>
    %reduce_sum3A = arith.constant dense<0.000000e+00> : vector<1000xf32>
    %reduce_sum3A_4 = vector.multi_reduction <add>, %mul3A, %reduce_sum3A [1] : vector<1000x128xf32> to vector<1000xf32>
    %broadcast_in_dim3A = vector.shape_cast %reduce_sum3A_4 : vector<1000xf32> to vector<1000x1xf32>
    %sqrt3A_5 = math.sqrt %broadcast_in_dim3A : vector<1000x1xf32>
    %max3A = arith.constant 1.000000e-15 : f32
    %max3A_6 = vector.broadcast %max3A : f32 to vector<1000x1xf32>
    %max3A_7 = arith.maximumf %sqrt3A_5, %max3A_6 : vector<1000x1xf32>
    %broadcast_in_dim3A_8 = vector.shape_cast %sqrt3A : vector<1xf32> to vector<1x1xf32>
    %mul3A_9 = vector.broadcast %broadcast_in_dim3A_8 : vector<1x1xf32> to vector<1000x1xf32>
    %mul3A_10 = arith.mulf %mul3A_9, %max3A_7 : vector<1000x1xf32>
    %jit3A = arith.constant -0.99999988 : f32
    %jit3A_11 = arith.constant 0.99999988 : f32
    %max3A_12 = vector.broadcast %jit3A : f32 to vector<1000x1xf32>
    %max3A_13 = arith.maximumf %max3A_12, %mul3A_10 : vector<1000x1xf32>
    %min3A = vector.broadcast %jit3A_11 : f32 to vector<1000x1xf32>
    %min3A_14 = arith.minimumf %min3A, %max3A_13 : vector<1000x1xf32>
    %add3A = arith.constant 1.000000e+00 : f32
    %add3A_15 = vector.broadcast %add3A : f32 to vector<1000x1xf32>
    %add3A_16 = arith.addf %add3A_15, %min3A_14 : vector<1000x1xf32>
    %sub3A = arith.constant 1.000000e+00 : f32
    %sub3A_17 = vector.broadcast %sub3A : f32 to vector<1000x1xf32>
    %sub3A_18 = arith.subf %sub3A_17, %min3A_14 : vector<1000x1xf32>
    %div3A = arith.divf %add3A_16, %sub3A_18 : vector<1000x1xf32>
    %log3A = math.log %div3A : vector<1000x1xf32>
    %mul3A_19 = arith.constant 5.000000e-01 : f32
    %mul3A_20 = vector.broadcast %mul3A_19 : f32 to vector<1000x1xf32>
    %mul3A_21 = arith.mulf %mul3A_20, %log3A : vector<1000x1xf32>
    %mul3A_22 = vector.broadcast %mul3A_21 : vector<1000x1xf32> to vector<1000x128xf32>
    %mul3A_23 = arith.mulf %mul3A_22, %get3A_1 : vector<1000x128xf32>
    %broadcast_in_dim3A_24 = vector.shape_cast %sqrt3A : vector<1xf32> to vector<1x1xf32>
    %mul3A_25 = vector.broadcast %broadcast_in_dim3A_24 : vector<1x1xf32> to vector<1000x1xf32>
    %mul3A_26 = arith.mulf %mul3A_25, %max3A_7 : vector<1000x1xf32>
    %div3A_27 = vector.broadcast %mul3A_26 : vector<1000x1xf32> to vector<1000x128xf32>
    %div3A_28 = arith.divf %mul3A_23, %div3A_27 : vector<1000x128xf32>
    %swap3A = arith.constant 0 : index
    %swap3A_29 = arith.constant 0 : index
    %swap3A_30 = vector.load %arg3[%swap3A, %swap3A_29] : memref<1000x128xf32, #tpu.memory_space<vmem>>, vector<1000x128xf32>
    tpu.vector_store %arg3[%swap3A, %swap3A_29], %div3A_28 {strides = array<i32>} : memref<1000x128xf32, #tpu.memory_space<vmem>>, vector<1000x128xf32>,
    return
  }
  func.func @transform_0(%arg0: i32) -> (i32, i32) {
    %c0_i32 = arith.constant 0 : i32
    %c0_i32_0 = arith.constant 0 : i32
    return %arg0, %c0_i32 : i32, i32
  }
  func.func @transform_1(%arg0: i32) -> i32 {
    %c0_i32 = arith.constant 0 : i32
    %c0_i32_0 = arith.constant 0 : i32
    return %c0_i32 : i32
  }
  func.func @transform_2(%arg0: i32) -> (i32, i32) {
    %c0_i32 = arith.constant 0 : i32
    %c0_i32_0 = arith.constant 0 : i32
    return %arg0, %c0_i32 : i32, i32
  }
}

module attributes {stable_mosaic.version = 14 : i64} {
  func.func @_tc_post_body(%arg0: i32, %arg1: memref<2x1024x128xf32, #tpu.memory_space<vmem>>, %arg2: memref<32x1024xf32, #tpu.memory_space<vmem>>, %arg3: memref<128x128xf32, #tpu.memory_space<vmem>>, %arg4: memref<128xf32, #tpu.memory_space<vmem>>, %arg5: memref<1xf32, #tpu.memory_space<vmem>>, %arg6: memref<1024x128xf32, #tpu.memory_space<vmem>>) attributes {dimension_semantics = [#tpu.dimension_semantics<arbitrary>], iteration_bounds = array<i64: 10>, scalar_prefetch = 0 : i64, scratch_operands = 0 : i64, tpu.core_type = #tpu.core_type<tc>, window_params = [{transform_indices = @transform_0, window_bounds = array<i64: 2, 1024, 128>}, {transform_indices = @transform_1, window_bounds = array<i64: 32, 1024>}, {pipeline_mode = #tpu.pipeline_mode<synchronous>, transform_indices = @transform_2, window_bounds = array<i64: 128, 128>}, {pipeline_mode = #tpu.pipeline_mode<synchronous>, transform_indices = @transform_3, window_bounds = array<i64: 128>}, {pipeline_mode = #tpu.pipeline_mode<synchronous>, transform_indices = @transform_4, window_bounds = array<i64: 1>}, {transform_indices = @transform_5, window_bounds = array<i64: 1024, 128>}]} {
    %get3A = arith.constant 0 : index
    %get3A_0 = arith.constant 0 : index
    %get3A_1 = arith.constant 0 : index
    %get3A_2 = vector.load %arg1[%get3A, %get3A_0, %get3A_1] : memref<2x1024x128xf32, #tpu.memory_space<vmem>>, vector<1x1024x128xf32>
    %get3A_3 = vector.shape_cast %get3A_2 : vector<1x1024x128xf32> to vector<1024x128xf32>
    %get3A_4 = arith.constant 1 : index
    %get3A_5 = arith.constant 0 : index
    %get3A_6 = arith.constant 0 : index
    %get3A_7 = vector.load %arg1[%get3A_4, %get3A_5, %get3A_6] : memref<2x1024x128xf32, #tpu.memory_space<vmem>>, vector<1x1024x128xf32>
    %get3A_8 = vector.shape_cast %get3A_7 : vector<1x1024x128xf32> to vector<1024x128xf32>
    %add3A = arith.addf %get3A_3, %get3A_8 : vector<1024x128xf32>
    %broadcast_in_dim3A = arith.constant 1.000000e+00 : f32
    %broadcast_in_dim3A_9 = vector.broadcast %broadcast_in_dim3A : f32 to vector<32x1xf32>
    %get3A_10 = arith.constant 0 : index
    %get3A_11 = arith.constant 0 : index
    %get3A_12 = vector.load %arg2[%get3A_10, %get3A_11] : memref<32x1024xf32, #tpu.memory_space<vmem>>, vector<32x1024xf32>
    %dot_general3A = arith.constant dense<0.000000e+00> : vector<1024x1xf32>
    %dot_general3A_13 = tpu.matmul %get3A_12, %broadcast_in_dim3A_9, %dot_general3A {dimension_numbers = #tpu.dot_dimension_numbers<[0], [0], [1], [1], [0, 1, 1, 1], [], []>, precision = #tpu.contract_precision<fp32>, transpose_lhs_hint = false} : vector<32x1024xf32>, vector<32x1xf32>, vector<1024x1xf32> -> vector<1024x1xf32>
    %get3A_14 = arith.constant 0 : index
    %get3A_15 = arith.constant 0 : index
    %get3A_16 = vector.load %arg3[%get3A_14, %get3A_15] : memref<128x128xf32, #tpu.memory_space<vmem>>, vector<128x128xf32>
    %dot_general3A_17 = arith.constant dense<0.000000e+00> : vector<1024x128xf32>
    %dot_general3A_18 = tpu.matmul %add3A, %get3A_16, %dot_general3A_17 {dimension_numbers = #tpu.dot_dimension_numbers<[1], [1], [0], [0], [0, 0, 1, 0], [], []>, precision = #tpu.contract_precision<fp32>, transpose_lhs_hint = false} : vector<1024x128xf32>, vector<128x128xf32>, vector<1024x128xf32> -> vector<1024x128xf32>
    %get3A_19 = arith.constant 0 : index
    %get3A_20 = vector.load %arg4[%get3A_19] : memref<128xf32, #tpu.memory_space<vmem>>, vector<128xf32>
    %reshape3A = vector.shape_cast %get3A_20 : vector<128xf32> to vector<1x128xf32>
    %mul3A = vector.broadcast %dot_general3A_13 : vector<1024x1xf32> to vector<1024x128xf32>
    %mul3A_21 = vector.broadcast %reshape3A : vector<1x128xf32> to vector<1024x128xf32>
    %mul3A_22 = arith.mulf %mul3A, %mul3A_21 : vector<1024x128xf32>
    %add3A_23 = arith.addf %dot_general3A_18, %mul3A_22 : vector<1024x128xf32>
    %max3A = arith.constant 1.000000e+00 : f32
    %max3A_24 = vector.broadcast %max3A : f32 to vector<1024x1xf32>
    %max3A_25 = arith.maximumf %dot_general3A_13, %max3A_24 : vector<1024x1xf32>
    %div3A = vector.broadcast %max3A_25 : vector<1024x1xf32> to vector<1024x128xf32>
    %div3A_26 = arith.divf %add3A_23, %div3A : vector<1024x128xf32>
    %mul3A_27 = arith.mulf %div3A_26, %div3A_26 : vector<1024x128xf32>
    %reduce_sum3A = arith.constant dense<0.000000e+00> : vector<1024xf32>
    %reduce_sum3A_28 = vector.multi_reduction <add>, %mul3A_27, %reduce_sum3A [1] : vector<1024x128xf32> to vector<1024xf32>
    %broadcast_in_dim3A_29 = vector.shape_cast %reduce_sum3A_28 : vector<1024xf32> to vector<1024x1xf32>
    %sqrt3A = math.sqrt %broadcast_in_dim3A_29 : vector<1024x1xf32>
    %max3A_30 = arith.constant 1.000000e-15 : f32
    %max3A_31 = vector.broadcast %max3A_30 : f32 to vector<1024x1xf32>
    %max3A_32 = arith.maximumf %sqrt3A, %max3A_31 : vector<1024x1xf32>
    %get3A_33 = arith.constant 0 : index
    %get3A_34 = vector.load %arg5[%get3A_33] : memref<1xf32, #tpu.memory_space<vmem>>, vector<1xf32>
    %abs3A = math.absf %get3A_34 : vector<1xf32>
    %sqrt3A_35 = math.sqrt %abs3A : vector<1xf32>
    %broadcast_in_dim3A_36 = vector.shape_cast %sqrt3A_35 : vector<1xf32> to vector<1x1xf32>
    %mul3A_37 = vector.broadcast %broadcast_in_dim3A_36 : vector<1x1xf32> to vector<1024x1xf32>
    %mul3A_38 = arith.mulf %mul3A_37, %max3A_32 : vector<1024x1xf32>
    %tanh3A = math.tanh %mul3A_38 : vector<1024x1xf32>
    %mul3A_39 = vector.broadcast %tanh3A : vector<1024x1xf32> to vector<1024x128xf32>
    %mul3A_40 = arith.mulf %mul3A_39, %div3A_26 : vector<1024x128xf32>
    %div3A_41 = vector.broadcast %mul3A_38 : vector<1024x1xf32> to vector<1024x128xf32>
    %div3A_42 = arith.divf %mul3A_40, %div3A_41 : vector<1024x128xf32>
    %swap3A = arith.constant 0 : index
    %swap3A_43 = arith.constant 0 : index
    %swap3A_44 = vector.load %arg6[%swap3A, %swap3A_43] : memref<1024x128xf32, #tpu.memory_space<vmem>>, vector<1024x128xf32>
    tpu.vector_store %arg6[%swap3A, %swap3A_43], %div3A_42 {strides = array<i32>} : memref<1024x128xf32, #tpu.memory_space<vmem>>, vector<1024x128xf32>,
    return
  }
  func.func @transform_0(%arg0: i32) -> (i32, i32, i32) {
    %c0_i32 = arith.constant 0 : i32
    %c0_i32_0 = arith.constant 0 : i32
    %c0_i32_1 = arith.constant 0 : i32
    return %c0_i32, %arg0, %c0_i32_0 : i32, i32, i32
  }
  func.func @transform_1(%arg0: i32) -> (i32, i32) {
    %c0_i32 = arith.constant 0 : i32
    %c0_i32_0 = arith.constant 0 : i32
    return %c0_i32, %arg0 : i32, i32
  }
  func.func @transform_2(%arg0: i32) -> (i32, i32) {
    %c0_i32 = arith.constant 0 : i32
    %c0_i32_0 = arith.constant 0 : i32
    %c0_i32_1 = arith.constant 0 : i32
    return %c0_i32, %c0_i32_0 : i32, i32
  }
  func.func @transform_3(%arg0: i32) -> i32 {
    %c0_i32 = arith.constant 0 : i32
    %c0_i32_0 = arith.constant 0 : i32
    return %c0_i32 : i32
  }
  func.func @transform_4(%arg0: i32) -> i32 {
    %c0_i32 = arith.constant 0 : i32
    %c0_i32_0 = arith.constant 0 : i32
    return %c0_i32 : i32
  }
  func.func @transform_5(%arg0: i32) -> (i32, i32) {
    %c0_i32 = arith.constant 0 : i32
    %c0_i32_0 = arith.constant 0 : i32
    return %arg0, %c0_i32 : i32, i32
  }
}

</mosaic_0001>

<sc_bundles>
// kernel: kernel.5.cloned.1.call-start
scs
__scs_entry_jumppad:
0x0: {  	(pc) =	sbr.rel $0x88, $3  }
0x1: {  	(tag) =	ssettag $0x0;
	lr =	simm.s32 $0x1  }
0x2: {  	[smem:$0x3F9C] =	sst lr;
	_ =	strace $0xD0000000  }
0x3: {  	_ = 	snop  }
0x4: {  	_ = 	snop  }
0x5: {  	_ = 	snop  }
0x6: {  	_ = 	snop  }
0x7: {  	_ = 	snop  }
__scs_overlays_trampoline_lowered:
0x8: {  	[smem:$0x3FAB] =	sst s0  }
0x9: {  	[smem:$0x3FAC] =	sst s1  }
0xa: {  	[smem:$0x3FAD] =	sst s2  }
0xb: {  	[smem:$0x3FAE] =	sst s3  }
0xc: {  	[smem:$0x3FAF] =	sst s4  }
0xd: {  	[smem:$0x3FB0] =	sst s5  }
0xe: {  	[smem:$0x3FB1] =	sst s6  }
0xf: {  	[smem:$0x3FB2] =	sst s7  }
0x10: {  	[smem:$0x3FB3] =	sst s8  }
0x11: {  	[smem:$0x3FB4] =	sst s9;
	s0 =	simm.s32 @!p0 $0x0  }
0x12: {  	s1 =	sld [smem:$0x3F9A];
	s0 =	simm.s32 @p0 $0x1  }
0x13: {  	[smem:$0x3FB5] =	sst s0;
	s0 =	simm.s32 @!p1 $0x0  }
0x14: {  	s2 =	sld [smem:$0x3F99];
	s0 =	simm.s32 @p1 $0x1  }
0x15: {  	[smem:$0x3FB6] =	sst s0;
	s0 =	simm.s32 @!p2 $0x0  }
0x16: {  	s3 =	sld [smem:$0x3FDB];
	s0 =	simm.s32 @p2 $0x1  }
0x17: {  	s4 =	simm.s32 $0x1BF5;
	[smem:$0x3FB8] =	sst s0  }
0x18: {  	s0 =	sld [smem:$0x3F9B];
	_ =	swait.ge [sflag:s4], $0x0  }
0x19: {  	s7 =	sld [smem:$0x3F9C]  }
0x1a: {  	s8 =	sadd.s32 $0xFFFFE003, lr  }
0x1b: {  	s9 =	sadd.s32 $0xFFFFFEF7, lr;
	s5 =	simm.s32 $0xFFFFFFFF;
	p2 =	slt.u32 s8, $0xFFFFF086  }
0x1c: {  	p1 =	slt.u32 s9, $0xF7A;
	s5 =	simm.s32 @!p2 $0x0  }
0x1d: {  	s5 =	simm.s32 @p1 $0x1;
	p0 =	seq.s32 s7, s2  }
0x1e: {  	s7 =	smul.u32 @!p0 $0xF7A, s2;
	p2 =	seq.s32 @!p0 s5, $0x0  }
0x1f: {  	s9 =	smul.u32 $0xF7A, s1;
	s8 =	simm.s32 @!p0 $0x1BF5;
	p2 =	por !p2, p0  }
0x20: {  	[sflag:s8] =	ssyncset.s32 @!p0 $0xFFFFF086;
	s6 =	sadd.s32 @!p0 s3, s7;
	s7 =	simm.s32 @!p0 $0x108  }
0x21: {  	s3 =	sadd.s32 s3, s9;
	s6 =	sadd.s32 @!p0 $0x88, s6;
	s7 =	simm.s32 @p2 $0x1082  }
0x22: {  	[simem:s7], [sflag:s8] =	dma.local @!p0 [hbm:s6], $0xF7A  }
0x23: {  	s9 =	sor.u32 $0xD0000000, s2;
	s6 =	simm.s32 $0x108;
	_ =	swait.ge @!p0 [sflag:s8], $0x0  }
0x24: {  	s3 =	sadd.s32 $0x88, s3;
	s6 =	simm.s32 @!p1 $0x1082;
	[sflag:s4] =	ssyncset.s32 $0xFFFFF086  }
0x25: {  	[simem:s6], [sflag:s4] =	dma.local [hbm:s3], $0xF7A  }
0x26: {  	[smem:$0x3F9C] =	sst s1;
	(tag) =	ssettag s2;
	_ =	strace s9  }
0x27: {  	s1 =	sld [smem:$0x3FAC]  }
0x28: {  	s2 =	sld [smem:$0x3FAD]  }
0x29: {  	s4 =	sld [smem:$0x3FAF]  }
0x2a: {  	p0 =	seq.s32 s5, $0x0;
	s5 =	sld [smem:$0x3FB0]  }
0x2b: {  	s6 =	sld [smem:$0x3FB1]  }
0x2c: {  	s7 =	sld [smem:$0x3FB2]  }
0x2d: {  	s3 =	simm.s32 $0x108;
	s8 =	sld [smem:$0x3FB3]  }
0x2e: {  	s3 =	simm.s32 @!p0 $0x1082;
	s9 =	sld [smem:$0x3FB4]  }
0x2f: {  	lr =	sadd.s32 s0, s3;
	s0 =	sld [smem:$0x3FAB]  }
0x30: {  	s3 =	sld [smem:$0x3FAE]  }
0x31: {  	[smem:$0x3FB7] =	sst s10  }
0x32: {  	s10 =	sld [smem:$0x3FB5];
	_ =	sdelay $0x3  }
0x33: {  	p0 =	seq.s32 s10, $0x1;
	s10 =	sld [smem:$0x3FB7];
	_ =	sdelay $0x3  }
0x34: {  	[smem:$0x3FB7] =	sst s10  }
0x35: {  	s10 =	sld [smem:$0x3FB6];
	_ =	sdelay $0x3  }
0x36: {  	p1 =	seq.s32 s10, $0x1;
	s10 =	sld [smem:$0x3FB7];
	_ =	sdelay $0x3  }
0x37: {  	[smem:$0x3FB7] =	sst s10  }
0x38: {  	s10 =	sld [smem:$0x3FB8]  }
0x39: {  	_ = 	snop;
	(pc) =	sbr.ind lr, $3  }
0x3a: {  	_ = 	snop  }
0x3b: {  	_ = 	snop  }
0x3c: {  	p2 =	seq.s32 s10, $0x1;
	s10 =	sld [smem:$0x3FB7]  }
0x3d: {  	_ =	shalt  }
0x3e: {  	_ =	shalt  }
0x3f: {  	_ =	shalt  }
0x40: {  	_ =	shalt  }
0x41: {  	_ =	shalt  }
0x42: {  	_ =	shalt  }
0x43: {  	_ =	shalt  }
0x44: {  	_ =	shalt  }
0x45: {  	_ =	shalt  }
0x46: {  	_ =	shalt  }
0x47: {  	_ =	shalt  }
0x48: {  	_ =	shalt  }
0x49: {  	_ =	shalt  }
0x4a: {  	_ =	shalt  }
0x4b: {  	_ =	shalt  }
0x4c: {  	_ =	shalt  }
0x4d: {  	_ =	shalt  }
0x4e: {  	_ =	shalt  }
0x4f: {  	_ =	shalt  }
0x50: {  	_ =	shalt  }
0x51: {  	_ =	shalt  }
0x52: {  	_ =	shalt  }
0x53: {  	_ =	shalt  }
0x54: {  	_ =	shalt  }
0x55: {  	_ =	shalt  }
0x56: {  	_ =	shalt  }
0x57: {  	_ =	shalt  }
0x58: {  	_ =	shalt  }
0x59: {  	_ =	shalt  }
0x5a: {  	_ =	shalt  }
0x5b: {  	_ =	shalt  }
0x5c: {  	_ =	shalt  }
0x5d: {  	_ =	shalt  }
0x5e: {  	_ =	shalt  }
0x5f: {  	_ =	shalt  }
0x60: {  	_ =	shalt  }
0x61: {  	_ =	shalt  }
0x62: {  	_ =	shalt  }
0x63: {  	_ =	shalt  }
0x64: {  	_ =	shalt  }
0x65: {  	_ =	shalt  }
0x66: {  	_ =	shalt  }
0x67: {  	_ =	shalt  }
0x68: {  	_ =	shalt  }
0x69: {  	_ =	shalt  }
0x6a: {  	_ =	shalt  }
0x6b: {  	_ =	shalt  }
0x6c: {  	_ =	shalt  }
0x6d: {  	_ =	shalt  }
0x6e: {  	_ =	shalt  }
0x6f: {  	_ =	shalt  }
0x70: {  	_ =	shalt  }
0x71: {  	_ =	shalt  }
0x72: {  	_ =	shalt  }
0x73: {  	_ =	shalt  }
0x74: {  	_ =	shalt  }
0x75: {  	_ =	shalt  }
0x76: {  	_ =	shalt  }
0x77: {  	_ =	shalt  }
0x78: {  	_ =	shalt  }
0x79: {  	_ =	shalt  }
0x7a: {  	_ =	shalt  }
0x7b: {  	_ =	shalt  }
0x7c: {  	_ =	shalt  }
0x7d: {  	_ =	shalt  }
0x7e: {  	_ =	shalt  }
0x7f: {  	_ =	shalt  }
0x80: {  	_ =	shalt  }
0x81: {  	_ =	shalt  }
0x82: {  	_ =	shalt  }
0x83: {  	_ =	shalt  }
0x84: {  	_ =	shalt  }
0x85: {  	_ =	shalt  }
0x86: {  	_ =	shalt  }
0x87: {  	_ =	shalt  }
.Lfunc_end0:
.L_simem_size_0:
called_computation_lowered:
.L_overlay_start_0:
0x88: {  	s2 =	sld [smem:$0x3FD9]  }
0x89: {  	s3 =	sld [smem:$0x3FFE];
	_ =	sdelay $0x1  }
0x8a: {  	s1 =	srdreg.scid  }
0x8b: {  	s0 =	sand.u32 $0x1, s1  }
0x8c: {  	s17 =	sshll.u32 s0, $0xA;
	s2 =	sadd.s32 s3, s2  }
0x8d: {  	s2 =	sadd.s32 s2, s17  }
0x8e: {  	[smem:$0x3FC3] =	sst s2  }
0x8f: {  	_ = 	snop  }
0x90: {  	s2 =	sld [smem:$0x3FC8]  }
0x91: {  	s18 =	sld [smem:$0x3FD0];
	(tm) =	ssettm $0x1  }
0x92: {  	s4 =	sld [smem:$0x3FFB];
	_ =	sdelay $0x3  }
0x93: {  	_ =	strace s4  }
0x94: {  	s4 =	sld [smem:$0x3FFC];
	_ =	sdelay $0x3  }
0x95: {  	_ =	strace s4  }
0x96: {  	s4 =	sld [smem:$0x3FFD];
	_ =	sdelay $0x3  }
0x97: {  	_ =	strace s4  }
0x98: {  	_ =	strace $0x8FFFFFFF  }
0x99: {  	s19 =	sld [smem:$0x3FDB];
	_ =	sdelay $0x1  }
0x9a: {  	s5 =	simm.s32 $_scs_section_size  }
0x9b: {  	s6 =	simm.s32 $_size__tile_overlayer_lowered;
	s7 =	simm.s32 $_tile_overlayer_lowered  }
0x9c: {  	s22 =	simm.s32 $0x1BFF;
	s21 =	sshll.u32 s7, $0x1;
	s4 =	sadd.s32 s5, s19  }
0x9d: {  	s8 =	simm.s32 $0x0;
	s20 =	sshll.u32 s6, $0x1;
	s6 =	sadd.s32 s21, s4  }
0x9e: {  	[timem:s8], [sflag:s22] =	dma.local [hbm:s6], s20  }
0x9f: {  	_ =	swait.ge [sflag:s22], s20  }
0xa0: {  	s5 =	ssub.s32 $0x0, s20;
	[sflag:s22] =	ssyncset.done $0x0  }
0xa1: {  	[sflag:s22] =	ssyncadd.s32 s5;
	_ =	sdelay $0x1  }
0xa2: {  	s23 =	simm.s32 $0x1B8B  }
0xa3: {  	_ =	swait.ge [sflag:s23], $0x1  }
0xa4: {  	[sflag:s23] =	ssyncset.done $0x0  }
0xa5: {  	s25 =	simm.s32 $0x1B8E;
	s24 =	sld [smem:$0x3FFE];
	[sflag:s23] =	ssyncadd.s32 $0xFFFFFFFF  }
0xa6: {  	s26 =	simm.s32 $execute0_lowered;
	[smem:$0x3FD2] =	sst s25  }
0xa7: {  	s6 =	sshll.u32 s26, $0x1;
	_ =	strace $0x80000046;
	[dreg:$0x1] =	wrdreg $0xFFFFFFFF  }
0xa8: {  	s28 =	simm.s32 $_size_execute0_lowered;
	s4 =	sadd.s32 s4, s6;
	[dreg:$0x0] =	wrdreg $0x0  }
0xa9: {  	s6 =	sshll.u32 s28, $0x1;
	[dreg:$0x2] =	wrdreg s4  }
0xaa: {  	[dreg:$0x3] =	wrdreg s6  }
0xab: {  	[dreg:$0x4] =	wrdreg $0xC0  }
0xac: {  	_ =	task [dreg:s8], $0x5FFFF  }
0xad: {  	[dreg:$0x1] =	wrdreg $0xFFFFFFFF  }
0xae: {  	[dreg:$0x0] =	wrdreg $0x60  }
0xaf: {  	[dreg:$0x2] =	wrdreg s18  }
0xb0: {  	[dreg:$0x3] =	wrdreg s2  }
0xb1: {  	[dreg:$0x4] =	wrdreg s24  }
0xb2: {  	[dreg:$0x5] =	wrdreg $0xC0000  }
0xb3: {  	[dreg:$0x6] =	wrdreg $0x9  }
0xb4: {  	_ =	task.clear_ibuf [dreg:s8], $0x7FFFF;
	_ =	strace $0x90000046  }
0xb5: {  	s29 =	simm.s32 $0x9;
	_ =	strace $0x80000048  }
0xb6: {  	_ =	swait.ge [sflag:s29], $0x1  }
0xb7: {  	[sflag:s29] =	ssyncadd.s32 $0xFFFFFFFF  }
0xb8: {  	_ =	strace $0x90000048  }
0xb9: {  	_ =	sfence  }
0xba: {  	s30 =	sld [smem:$0x0];
	_ =	sdelay $0x2  }
0xbb: {  	s31 =	sshll.u32 s1, $0xD;
	s1 =	sshrl.u32 s1, $0x2  }
0xbc: {  	s3 =	sand.u32 $0x4000, s31;
	s1 =	sadd.s32 s1, s30  }
0xbd: {  	s0 =	sor.u32 s3, s0;
	s1 =	sshll.u32 s1, $0x11  }
0xbe: {  	s0 =	sor.u32 s1, s0  }
0xbf: {  	s0 =	sadd.s32 $0x8F2B, s0  }
0xc0: {  	[sflag:s0] =	ssyncadd.remote.s32 $0x1  }
0xc1: {  	_ =	sfence.sel $0xFFFF  }
0xc2: {  	[dreg:$0x0] =	wrdreg $0xFFFFFFFF;
	(pc) =	sbr.abs _section_cstart, $3  }
0xc3: {  	[dreg:$0x1] =	wrdreg $0xFFFFFFFF  }
0xc4: {  	_ =	task.clear_ibuf [dreg:s8], $0x2FFFF;
	_ =	strace $0x9FFFFFFF  }
0xc5: {  	(tm) =	ssettm $0x7FFFFFFF  }
tec
execute0_lowered:
.L_overlay_start_1:
0x0: {  	(tag) =	ssettag $0x1  }
0x1: {  	s0 =	rddreg [dreg:$0x0]  }
0x2: {  	s1 =	rddreg [dreg:$0x1]  }
0x3: {  	s2 =	srdreg.scid;
	s5 =	rddreg [dreg:$0x2]  }
0x4: {  	s14 =	stileid.u32;
	s3 =	rddreg [dreg:$0x3];
	s28 =	simm.s32 $0x300  }
0x5: {  	s29 =	simm.s32 $0x8;
	s30 =	simm.s32 $0x4;
	s31 =	simm.s32 $0x280  }
0x6: {  	s2 =	sand.u32 $0x1, s2;
	s8 =	sshll.u32 s14, $0x7;
	s11 =	smul.u32 $0x50000, s14  }
0x7: {  	s13 =	sshll.u32 s14, $0x5;
	s16 =	smul.u32 $0x14000, s14;
	s4 =	sshll.u32 s2, $0x4  }
0x8: {  	s8 =	sand.u32 $0x380, s8;
	s9 =	ssub.s32 $0x2, s2;
	s17 =	smul.u32 $0x140000, s2  }
0x9: {  	s2 =	smul.u32 $0x4E0, s2;
	s6 =	sor.u32 s14, s4;
	s4 =	simm.s32 $0x0  }
0xa: {  	s12 =	sshrl.u32 s9, $0x1;
	s15 =	sshrl.u32 s11, $0x2;
	s21 =	sadd.s32 $0x5000, s16  }
0xb: {  	s24 =	sadd.s32 $0xA000, s16;
	s14 =	smul.u32 $0x4E, s14;
	s11 =	simm.s32 $0x9  }
0xc: {  	s7 =	sshrl.u32 s6, $0x3;
	[smem:$0x7FF] =	sst s4;
	s10 =	smul.u32 $0x9C0, s6  }
0xd: {  	s22 =	sadd.s32 s15, s3;
	s23 =	sadd.s32 s21, s3;
	s26 =	sadd.s32 s17, s24  }
0xe: {  	_ =	strace $0x80000047;
	s18 =	sadd.s32 $0x1400, s22;
	[dreg:$0xe] =	wrdreg s23  }
0xf: {  	p0 =	sgt.u32 s6, $0x3;
	s19 =	sadd.s32 $0x2800, s22;
	[dreg:$0xb] =	wrdreg s18  }
0x10: {  	s6 =	simm.s32 $0x1;
	s20 =	sadd.s32 $0x3C00, s22;
	[dreg:$0xc] =	wrdreg s19  }
0x11: {  	s2 =	sadd.s32 s14, s2;
	s14 =	sadd.s32 s24, s3;
	[dreg:$0xd] =	wrdreg s20  }
0x12: {  	s7 =	smul.u32 $0x14000, s7;
	[dreg:$0x15] =	wrdreg s14;
	s18 =	sadd.s32 $0xC800, s22  }
0x13: {  	s2 =	sshll.u32 s2, $0x5;
	s19 =	sadd.s32 $0xDC00, s22;
	[dreg:$0x19] =	wrdreg s18  }
0x14: {  	s20 =	sadd.s32 $0x10400, s22;
	s7 =	sor.u32 s8, s7;
	[dreg:$0x1a] =	wrdreg s19  }
0x15: {  	s8 =	sadd.s32 $0x1400, s5;
	[dreg:$0x1b] =	wrdreg s20;
	s18 =	simm.s32 $0x7  }
0x16: {  	s19 =	simm.s32 $0x3;
	s20 =	simm.s32 $0x6;
	s7 =	sshrl.u32 s7, $0x3  }
0x17: {  	s5 =	sadd.s32 s7, s5;
	s7 =	ssub.s32 s9, s12;
	s12 =	sadd.s32 s1, s10  }
0x18: {  	s9 =	sadd.s32 s13, s1;
	s13 =	sadd.s32 s17, s16;
	[dreg:$0x6] =	wrdreg s12  }
0x19: {  	s12 =	sadd.s32 $0x20, s1;
	s9 =	sadd.s32 $0x13800, s9;
	s5 =	sadd.s32 $0x51400, s5  }
0x1a: {  	s7 =	smax.u32 s7, $0x1;
	s13 =	sshrl.u32 s13, $0x3;
	[dreg:$0x8] =	wrdreg s9  }
0x1b: {  	s1 =	sadd.s32 s1, s2;
	s10 =	sadd.s32 s10, s12;
	[dreg:$0x9] =	wrdreg s5  }
0x1c: {  	[dreg:$0xa] =	wrdreg s7;
	s7 =	sadd.s32 s17, s21;
	s5 =	sadd.s32 $0xF000, s16  }
0x1d: {  	s25 =	sadd.s32 s8, s13;
	s12 =	sadd.s32 s12, s2;
	s13 =	sadd.s32 $0x7800, s22  }
0x1e: {  	s23 =	sadd.s32 $0x80, s1;
	s16 =	sadd.s32 $0x8C00, s22;
	[dreg:$0x7] =	wrdreg s10  }
0x1f: {  	s21 =	sadd.s32 $0x11800, s22;
	s2 =	simm.s32 $0x380;
	[dreg:$0xf] =	wrdreg s25  }
0x20: {  	s7 =	sshrl.u32 s7, $0x3;
	s10 =	sadd.s32 s17, s5;
	[dreg:$0x14] =	wrdreg s13  }
0x21: {  	s9 =	sadd.s32 $0x80, s12;
	s15 =	sadd.s32 s5, s3;
	[dreg:$0x17] =	wrdreg s16  }
0x22: {  	s24 =	sadd.s32 $0x40, s12;
	s25 =	sadd.s32 $0x40, s1;
	[dreg:$0x1c] =	wrdreg s21  }
0x23: {  	s17 =	sadd.s32 $0xB400, s22;
	s5 =	simm.s32 $0x100;
	[dreg:$0x5] =	wrdreg s9  }
0x24: {  	s12 =	simm.s32 $0x2;
	s13 =	simm.s32 $0x4400;
	[dreg:$0x16] =	wrdreg s15  }
0x25: {  	s16 =	simm.s32 $0x9800;
	s7 =	sadd.s32 s8, s7;
	[dreg:$0x18] =	wrdreg s17  }
0x26: {  	[dreg:$0x10] =	wrdreg s7;
	s7 =	sshrl.u32 s26, $0x3;
	s26 =	sadd.s32 $0x12C00, s22  }
0x27: {  	s10 =	sshrl.u32 s10, $0x3;
	s7 =	sadd.s32 s8, s7;
	[dreg:$0x1d] =	wrdreg s26  }
0x28: {  	s15 =	simm.s32 $0x5;
	s8 =	sadd.s32 s8, s10;
	[dreg:$0x11] =	wrdreg s7  }
0x29: {  	s17 =	simm.s32 $0x200;
	s10 =	sadd.s32 $0x6400, s22;
	[dreg:$0x12] =	wrdreg s8  }
0x2a: {  	s9 =	simm.s32 $0x0;
	s26 =	simm.s32 $0x180;
	[dreg:$0x13] =	wrdreg s10  }
0x2b: {  	v0 =	vimm.f32 $0.0e+00;
	v1 =	vimm.f32 $1.000000000e+00;
	s7 =	simm.s32 $0x80;
	s8 =	simm.s32 $0x400;
	s10 =	simm.s32 $0x8400  }
.LBB2_1:
0x2c: {  	[dreg:$0x1e] =	wrdreg s9  }
0x2d: {  	s21 =	rddreg [dreg:$0x6]  }
0x2e: {  	[tilespmem:s4], [sflag:$0x1] =	stream.linear.gather [hbm4b:s21+s4], $0x100, $0x38;
	v63 =	vld [tilespmem:$0x0]  }
0x2f: {  	s1 =	smov.u32 s22;
	s22 =	rddreg [dreg:$0x7]  }
0x30: {  	[tilespmem:s5], [sflag:$0x2] =	stream.linear.gather [hbm4b:s22+s4], $0x100, $0x38;
	v63 =	vld [tilespmem:$0x0]  }
0x31: {  	s14 =	sand.u32 $0x7E00, s4;
	s21 =	sand.u32 $0x70, s4;
	_ =	swait.ge [sflag:s6], $0x100  }
0x32: {  	s9 =	sshrl.u32 s14, $0x2;
	s14 =	simm.s32 $0x40;
	[sflag:s6] =	ssyncset.done $0x0  }
0x33: {  	s22 =	sor.u32 s21, s9;
	s21 =	simm.s32 $0x0;
	[sflag:s6] =	ssyncadd.s32 $0xFFFFFF00  }
0x34: {  	[tilespmem:s8], [sflag:$0x5] =	stream.indirect.gather [hbm4b:s0+s7], $0x80, s4, s7, $0xb8;
	v63 =	vld [tilespmem:$0x0]  }
.LBB2_2:
0x35: {  	p1 =	sne.s32 s14, $0x4FC0  }
0x36: {  	[tilespmem:s22+$0x8400] =	vst v0;
	s21 =	sadd.s32 $0x10, s21;
	s22 =	smov.u32 s14;
	s14 =	sadd.s32 $0x40, s14  }
.Ltmp0:
0x37: {  	(pc) =	sbr.rel @p1 .LBB2_2-.Ltmp0, $4  }
0x38: {  	_ = 	snop  }
0x39: {  	s22 =	sand.u32 $0x7E00, s22  }
0x3a: {  	s9 =	sand.u32 $0x70, s21;
	s22 =	sshrl.u32 s22, $0x2  }
0x3b: {  	s22 =	sor.u32 s9, s22  }
0x3c: {  	[tilespmem:s22+$0x8400] =	vst v0  }
0x3d: {  	[spmem:s1] =	stream.linear.scatter [tilespmem:s10], [sflag:$0x9], $0x1400, $0x38;
	v63 =	vld [tilespmem:$0x0]  }
0x3e: {  	s9 =	rddreg [dreg:$0xb]  }
0x3f: {  	[spmem:s9] =	stream.linear.scatter [tilespmem:s10], [sflag:$0x9], $0x1400, $0x38;
	v63 =	vld [tilespmem:$0x0]  }
0x40: {  	s14 =	rddreg [dreg:$0xc]  }
0x41: {  	[spmem:s14] =	stream.linear.scatter [tilespmem:s10], [sflag:$0x9], $0x1400, $0x38;
	v63 =	vld [tilespmem:$0x0]  }
0x42: {  	s21 =	rddreg [dreg:$0xd]  }
0x43: {  	[spmem:s21] =	stream.linear.scatter [tilespmem:s10], [sflag:$0x9], $0x1400, $0x38;
	v63 =	vld [tilespmem:$0x0]  }
0x44: {  	s9 =	rddreg [dreg:$0xe]  }
0x45: {  	[spmem:s9] =	stream.linear.scatter [tilespmem:s10], [sflag:$0x9], $0x1400, $0x38;
	v63 =	vld [tilespmem:$0x0]  }
0x46: {  	s14 =	rddreg [dreg:$0x13]  }
0x47: {  	[spmem:s14] =	stream.linear.scatter [tilespmem:s10], [sflag:$0x9], $0x1400, $0x38;
	v63 =	vld [tilespmem:$0x0]  }
0x48: {  	s21 =	rddreg [dreg:$0x14]  }
0x49: {  	[spmem:s21] =	stream.linear.scatter [tilespmem:s10], [sflag:$0x9], $0x1400, $0x38;
	v63 =	vld [tilespmem:$0x0]  }
0x4a: {  	s9 =	rddreg [dreg:$0x17]  }
0x4b: {  	[spmem:s9] =	stream.linear.scatter [tilespmem:s10], [sflag:$0x9], $0x1400, $0x38;
	v63 =	vld [tilespmem:$0x0]  }
0x4c: {  	s14 =	rddreg [dreg:$0x15]  }
0x4d: {  	[spmem:s14] =	stream.linear.scatter [tilespmem:s10], [sflag:$0x9], $0x1400, $0x38;
	v63 =	vld [tilespmem:$0x0]  }
0x4e: {  	s21 =	rddreg [dreg:$0x18]  }
0x4f: {  	[spmem:s21] =	stream.linear.scatter [tilespmem:s10], [sflag:$0x9], $0x1400, $0x38;
	v63 =	vld [tilespmem:$0x0]  }
0x50: {  	s9 =	rddreg [dreg:$0x19]  }
0x51: {  	[spmem:s9] =	stream.linear.scatter [tilespmem:s10], [sflag:$0x9], $0x1400, $0x38;
	v63 =	vld [tilespmem:$0x0]  }
0x52: {  	s14 =	rddreg [dreg:$0x1a]  }
0x53: {  	[spmem:s14] =	stream.linear.scatter [tilespmem:s10], [sflag:$0x9], $0x1400, $0x38;
	v63 =	vld [tilespmem:$0x0]  }
0x54: {  	s21 =	rddreg [dreg:$0x16]  }
0x55: {  	[spmem:s21] =	stream.linear.scatter [tilespmem:s10], [sflag:$0x9], $0x1400, $0x38;
	v63 =	vld [tilespmem:$0x0]  }
0x56: {  	s9 =	rddreg [dreg:$0x1b]  }
0x57: {  	[spmem:s9] =	stream.linear.scatter [tilespmem:s10], [sflag:$0x9], $0x1400, $0x38;
	v63 =	vld [tilespmem:$0x0]  }
0x58: {  	s14 =	rddreg [dreg:$0x1c]  }
0x59: {  	[spmem:s14] =	stream.linear.scatter [tilespmem:s10], [sflag:$0x9], $0x1400, $0x38;
	v63 =	vld [tilespmem:$0x0]  }
0x5a: {  	s21 =	rddreg [dreg:$0x1d]  }
0x5b: {  	[spmem:s21] =	stream.linear.scatter [tilespmem:s10], [sflag:$0x9], $0x1400, $0x38;
	v63 =	vld [tilespmem:$0x0]  }
0x5c: {  	s22 =	smov.u32 s1;
	s14 =	simm.s32 $0x40;
	s21 =	simm.s32 $0x0  }
.LBB2_4:
0x5d: {  	p1 =	sne.s32 s14, $0x9FC0;
	[tilespmem:s21+$0x9800] =	vst v0;
	s9 =	smov.u32 s14;
	s14 =	sadd.s32 $0x40, s14  }
.Ltmp1:
0x5e: {  	(pc) =	sbr.rel @p1 .LBB2_4-.Ltmp1, $2  }
0x5f: {  	_ =	sdelay $0x2  }
0x60: {  	s21 =	sshra.s32 s9, $0x2  }
0x61: {  	[tilespmem:s21+$0x9800] =	vst v0  }
0x62: {  	_ =	swait.ge [sflag:s11], $0x1400  }
0x63: {  	[sflag:s11] =	ssyncset.done $0x0  }
0x64: {  	[sflag:s11] =	ssyncadd.s32 $0xFFFFEC00  }
0x65: {  	_ =	swait.ge [sflag:s11], $0x1400  }
0x66: {  	[sflag:s11] =	ssyncset.done $0x0  }
0x67: {  	[sflag:s11] =	ssyncadd.s32 $0xFFFFEC00  }
0x68: {  	_ =	swait.ge [sflag:s11], $0x1400  }
0x69: {  	[sflag:s11] =	ssyncset.done $0x0  }
0x6a: {  	[sflag:s11] =	ssyncadd.s32 $0xFFFFEC00  }
0x6b: {  	_ =	swait.ge [sflag:s11], $0x1400  }
0x6c: {  	[sflag:s11] =	ssyncset.done $0x0  }
0x6d: {  	[sflag:s11] =	ssyncadd.s32 $0xFFFFEC00  }
0x6e: {  	_ =	swait.ge [sflag:s11], $0x1400  }
0x6f: {  	[sflag:s11] =	ssyncset.done $0x0  }
0x70: {  	[sflag:s11] =	ssyncadd.s32 $0xFFFFEC00  }
0x71: {  	_ =	swait.ge [sflag:s11], $0x1400  }
0x72: {  	[sflag:s11] =	ssyncset.done $0x0  }
0x73: {  	[sflag:s11] =	ssyncadd.s32 $0xFFFFEC00  }
0x74: {  	_ =	swait.ge [sflag:s11], $0x1400  }
0x75: {  	[sflag:s11] =	ssyncset.done $0x0  }
0x76: {  	[sflag:s11] =	ssyncadd.s32 $0xFFFFEC00  }
0x77: {  	_ =	swait.ge [sflag:s11], $0x1400  }
0x78: {  	[sflag:s11] =	ssyncset.done $0x0  }
0x79: {  	[sflag:s11] =	ssyncadd.s32 $0xFFFFEC00  }
0x7a: {  	_ =	swait.ge [sflag:s11], $0x1400  }
0x7b: {  	[sflag:s11] =	ssyncset.done $0x0  }
0x7c: {  	[sflag:s11] =	ssyncadd.s32 $0xFFFFEC00  }
0x7d: {  	_ =	swait.ge [sflag:s11], $0x1400  }
0x7e: {  	[sflag:s11] =	ssyncset.done $0x0  }
0x7f: {  	[sflag:s11] =	ssyncadd.s32 $0xFFFFEC00  }
0x80: {  	_ =	swait.ge [sflag:s11], $0x1400  }
0x81: {  	[sflag:s11] =	ssyncset.done $0x0  }
0x82: {  	[sflag:s11] =	ssyncadd.s32 $0xFFFFEC00  }
0x83: {  	_ =	swait.ge [sflag:s11], $0x1400  }
0x84: {  	[sflag:s11] =	ssyncset.done $0x0  }
0x85: {  	[sflag:s11] =	ssyncadd.s32 $0xFFFFEC00  }
0x86: {  	_ =	swait.ge [sflag:s11], $0x1400  }
0x87: {  	[sflag:s11] =	ssyncset.done $0x0  }
0x88: {  	[sflag:s11] =	ssyncadd.s32 $0xFFFFEC00  }
0x89: {  	_ =	swait.ge [sflag:s11], $0x1400  }
0x8a: {  	[sflag:s11] =	ssyncset.done $0x0  }
0x8b: {  	[sflag:s11] =	ssyncadd.s32 $0xFFFFEC00  }
0x8c: {  	_ =	swait.ge [sflag:s11], $0x1400  }
0x8d: {  	[sflag:s11] =	ssyncset.done $0x0  }
0x8e: {  	[sflag:s11] =	ssyncadd.s32 $0xFFFFEC00  }
0x8f: {  	_ =	swait.ge [sflag:s11], $0x1400  }
0x90: {  	[sflag:s11] =	ssyncset.done $0x0  }
0x91: {  	[sflag:s11] =	ssyncadd.s32 $0xFFFFEC00  }
0x92: {  	s14 =	simm.s32 $0x0;
	[bflag:$0x0] =	sbarrier.arrive $0xFFFF  }
.LBB2_6:
0x93: {  	p1 =	seq.s32 s14, $0x0  }
0x94: {  	s9 =	simm.s32 @!p1 $0x8  }
0x95: {  	_ =	swait.ge @!p1 [sflag:s9], $0x4000  }
0x96: {  	[sflag:s9] =	ssyncset.done @!p1 $0x0  }
0x97: {  	[sflag:s9] =	ssyncadd.s32 @!p1 $0xFFFFC000  }
0x98: {  	_ =	swait.ge [sflag:s12], $0x100  }
0x99: {  	[sflag:s12] =	ssyncset.done $0x0  }
0x9a: {  	[sflag:s12] =	ssyncadd.s32 $0xFFFFFF00  }
0x9b: {  	[tilespmem:s13], [sflag:$0x6] =	stream.indirect.gather [hbm4b:s0+s7], $0x80, s5, s7, $0xb8;
	v63 =	vld [tilespmem:$0x0]  }
0x9c: {  	_ =	swait.ge [sflag:s15], $0x4000  }
0x9d: {  	[sflag:s15] =	ssyncset.done $0x0  }
0x9e: {  	[sflag:s15] =	ssyncadd.s32 $0xFFFFC000  }
0x9f: {  	[spmem:s3] =	stream.indirect.scatter.add.f32 [tilespmem:s8], [sflag:$0x7], $0x80, s7, s7, $0xb8;
	v63 =	vld [tilespmem:$0x0]  }
0xa0: {  	v2 =	vld [tilespmem:$0x80];
	_ =	sdelay $0x7  }
0xa1: {  	[tilespmem:v2+s16+$0x0] =	vst.idx.add.f32.msk $0xffff, v1  }
0xa2: {  	v2 =	vld [tilespmem:$0x90];
	_ =	sdelay $0x7  }
0xa3: {  	[tilespmem:v2+s16+$0x0] =	vst.idx.add.f32.msk $0xffff, v1  }
0xa4: {  	v2 =	vld [tilespmem:$0xA0];
	_ =	sdelay $0x7  }
0xa5: {  	[tilespmem:v2+s16+$0x0] =	vst.idx.add.f32.msk $0xffff, v1  }
0xa6: {  	v2 =	vld [tilespmem:$0xB0];
	_ =	sdelay $0x7  }
0xa7: {  	[tilespmem:v2+s16+$0x0] =	vst.idx.add.f32.msk $0xffff, v1  }
0xa8: {  	v2 =	vld [tilespmem:$0xC0];
	_ =	sdelay $0x7  }
0xa9: {  	[tilespmem:v2+s16+$0x0] =	vst.idx.add.f32.msk $0xffff, v1  }
0xaa: {  	v2 =	vld [tilespmem:$0xD0];
	_ =	sdelay $0x7  }
0xab: {  	[tilespmem:v2+s16+$0x0] =	vst.idx.add.f32.msk $0xffff, v1  }
0xac: {  	v2 =	vld [tilespmem:$0xE0];
	_ =	sdelay $0x7  }
0xad: {  	[tilespmem:v2+s16+$0x0] =	vst.idx.add.f32.msk $0xffff, v1  }
0xae: {  	v2 =	vld [tilespmem:$0xF0];
	_ =	sdelay $0x7  }
0xaf: {  	s1 =	sadd.s32 s14, s25;
	[tilespmem:v2+s16+$0x0] =	vst.idx.add.f32.msk $0xffff, v1  }
0xb0: {  	[tilespmem:s17], [sflag:$0x3] =	stream.linear.gather [hbm4b:s1+s4], $0x100, $0x38;
	v63 =	vld [tilespmem:$0x0]  }
0xb1: {  	_ =	swait.ge [sflag:s18], $0x4000  }
0xb2: {  	[sflag:s18] =	ssyncset.done $0x0  }
0xb3: {  	[sflag:s18] =	ssyncadd.s32 $0xFFFFC000  }
0xb4: {  	_ =	swait.ge [sflag:s19], $0x100  }
0xb5: {  	[sflag:s19] =	ssyncset.done $0x0  }
0xb6: {  	[sflag:s19] =	ssyncadd.s32 $0xFFFFFF00  }
0xb7: {  	[tilespmem:s8], [sflag:$0x5] =	stream.indirect.gather [hbm4b:s0+s7], $0x80, s17, s7, $0xb8;
	v63 =	vld [tilespmem:$0x0]  }
0xb8: {  	_ =	swait.ge [sflag:s20], $0x4000  }
0xb9: {  	[sflag:s20] =	ssyncset.done $0x0  }
0xba: {  	[sflag:s20] =	ssyncadd.s32 $0xFFFFC000  }
0xbb: {  	[spmem:s3] =	stream.indirect.scatter.add.f32 [tilespmem:s13], [sflag:$0x8], $0x80, s26, s7, $0xb8;
	v63 =	vld [tilespmem:$0x0]  }
0xbc: {  	v2 =	vld [tilespmem:$0x180];
	_ =	sdelay $0x7  }
0xbd: {  	[tilespmem:v2+s16+$0x0] =	vst.idx.add.f32.msk $0xffff, v1  }
0xbe: {  	v2 =	vld [tilespmem:$0x190];
	_ =	sdelay $0x7  }
0xbf: {  	[tilespmem:v2+s16+$0x0] =	vst.idx.add.f32.msk $0xffff, v1  }
0xc0: {  	v2 =	vld [tilespmem:$0x1A0];
	_ =	sdelay $0x7  }
0xc1: {  	[tilespmem:v2+s16+$0x0] =	vst.idx.add.f32.msk $0xffff, v1  }
0xc2: {  	v2 =	vld [tilespmem:$0x1B0];
	_ =	sdelay $0x7  }
0xc3: {  	[tilespmem:v2+s16+$0x0] =	vst.idx.add.f32.msk $0xffff, v1  }
0xc4: {  	v2 =	vld [tilespmem:$0x1C0];
	_ =	sdelay $0x7  }
0xc5: {  	[tilespmem:v2+s16+$0x0] =	vst.idx.add.f32.msk $0xffff, v1  }
0xc6: {  	v2 =	vld [tilespmem:$0x1D0];
	_ =	sdelay $0x7  }
0xc7: {  	[tilespmem:v2+s16+$0x0] =	vst.idx.add.f32.msk $0xffff, v1  }
0xc8: {  	v2 =	vld [tilespmem:$0x1E0];
	_ =	sdelay $0x7  }
0xc9: {  	[tilespmem:v2+s16+$0x0] =	vst.idx.add.f32.msk $0xffff, v1  }
0xca: {  	v2 =	vld [tilespmem:$0x1F0];
	_ =	sdelay $0x7  }
0xcb: {  	s21 =	sadd.s32 s14, s24;
	[tilespmem:v2+s16+$0x0] =	vst.idx.add.f32.msk $0xffff, v1  }
0xcc: {  	[tilespmem:s28], [sflag:$0x4] =	stream.linear.gather [hbm4b:s21+s4], $0x100, $0x38;
	v63 =	vld [tilespmem:$0x0]  }
0xcd: {  	_ =	swait.ge [sflag:s29], $0x4000  }
0xce: {  	[sflag:s29] =	ssyncset.done $0x0  }
0xcf: {  	[sflag:s29] =	ssyncadd.s32 $0xFFFFC000  }
0xd0: {  	_ =	swait.ge [sflag:s30], $0x100  }
0xd1: {  	[sflag:s30] =	ssyncset.done $0x0  }
0xd2: {  	[sflag:s30] =	ssyncadd.s32 $0xFFFFFF00  }
0xd3: {  	[tilespmem:s13], [sflag:$0x6] =	stream.indirect.gather [hbm4b:s0+s7], $0x80, s28, s7, $0xb8;
	v63 =	vld [tilespmem:$0x0]  }
0xd4: {  	_ =	swait.ge [sflag:s15], $0x4000  }
0xd5: {  	[sflag:s15] =	ssyncset.done $0x0  }
0xd6: {  	[sflag:s15] =	ssyncadd.s32 $0xFFFFC000  }
0xd7: {  	[spmem:s3] =	stream.indirect.scatter.add.f32 [tilespmem:s8], [sflag:$0x7], $0x80, s31, s7, $0xb8;
	v63 =	vld [tilespmem:$0x0]  }
0xd8: {  	v2 =	vld [tilespmem:$0x280];
	_ =	sdelay $0x7  }
0xd9: {  	[tilespmem:v2+s16+$0x0] =	vst.idx.add.f32.msk $0xffff, v1  }
0xda: {  	v2 =	vld [tilespmem:$0x290];
	_ =	sdelay $0x7  }
0xdb: {  	[tilespmem:v2+s16+$0x0] =	vst.idx.add.f32.msk $0xffff, v1  }
0xdc: {  	v2 =	vld [tilespmem:$0x2A0];
	_ =	sdelay $0x7  }
0xdd: {  	[tilespmem:v2+s16+$0x0] =	vst.idx.add.f32.msk $0xffff, v1  }
0xde: {  	v2 =	vld [tilespmem:$0x2B0];
	_ =	sdelay $0x7  }
0xdf: {  	[tilespmem:v2+s16+$0x0] =	vst.idx.add.f32.msk $0xffff, v1  }
0xe0: {  	v2 =	vld [tilespmem:$0x2C0];
	_ =	sdelay $0x7  }
0xe1: {  	[tilespmem:v2+s16+$0x0] =	vst.idx.add.f32.msk $0xffff, v1  }
0xe2: {  	v2 =	vld [tilespmem:$0x2D0];
	_ =	sdelay $0x7  }
0xe3: {  	[tilespmem:v2+s16+$0x0] =	vst.idx.add.f32.msk $0xffff, v1  }
0xe4: {  	v2 =	vld [tilespmem:$0x2E0];
	_ =	sdelay $0x7  }
0xe5: {  	[tilespmem:v2+s16+$0x0] =	vst.idx.add.f32.msk $0xffff, v1  }
0xe6: {  	v2 =	vld [tilespmem:$0x2F0];
	_ =	sdelay $0x7  }
0xe7: {  	s1 =	sadd.s32 s14, s23;
	[tilespmem:v2+s16+$0x0] =	vst.idx.add.f32.msk $0xffff, v1  }
0xe8: {  	[tilespmem:s4], [sflag:$0x1] =	stream.linear.gather [hbm4b:s1+s4], $0x100, $0x38;
	v63 =	vld [tilespmem:$0x0]  }
0xe9: {  	_ =	swait.ge [sflag:s18], $0x4000  }
0xea: {  	[sflag:s18] =	ssyncset.done $0x0  }
0xeb: {  	[sflag:s18] =	ssyncadd.s32 $0xFFFFC000  }
0xec: {  	_ =	swait.ge [sflag:s6], $0x100  }
0xed: {  	[sflag:s6] =	ssyncset.done $0x0  }
0xee: {  	[sflag:s6] =	ssyncadd.s32 $0xFFFFFF00  }
0xef: {  	[tilespmem:s8], [sflag:$0x5] =	stream.indirect.gather [hbm4b:s0+s7], $0x80, s4, s7, $0xb8;
	v63 =	vld [tilespmem:$0x0]  }
0xf0: {  	_ =	swait.ge [sflag:s20], $0x4000  }
0xf1: {  	[sflag:s20] =	ssyncset.done $0x0  }
0xf2: {  	[sflag:s20] =	ssyncadd.s32 $0xFFFFC000  }
0xf3: {  	[spmem:s3] =	stream.indirect.scatter.add.f32 [tilespmem:s13], [sflag:$0x8], $0x80, s2, s7, $0xb8;
	v63 =	vld [tilespmem:$0x0]  }
0xf4: {  	v2 =	vld [tilespmem:$0x380];
	_ =	sdelay $0x7  }
0xf5: {  	[tilespmem:v2+s16+$0x0] =	vst.idx.add.f32.msk $0xffff, v1  }
0xf6: {  	v2 =	vld [tilespmem:$0x390];
	_ =	sdelay $0x7  }
0xf7: {  	[tilespmem:v2+s16+$0x0] =	vst.idx.add.f32.msk $0xffff, v1  }
0xf8: {  	v2 =	vld [tilespmem:$0x3A0];
	_ =	sdelay $0x7  }
0xf9: {  	[tilespmem:v2+s16+$0x0] =	vst.idx.add.f32.msk $0xffff, v1  }
0xfa: {  	v2 =	vld [tilespmem:$0x3B0];
	_ =	sdelay $0x7  }
0xfb: {  	[tilespmem:v2+s16+$0x0] =	vst.idx.add.f32.msk $0xffff, v1  }
0xfc: {  	v2 =	vld [tilespmem:$0x3C0];
	_ =	sdelay $0x7  }
0xfd: {  	[tilespmem:v2+s16+$0x0] =	vst.idx.add.f32.msk $0xffff, v1  }
0xfe: {  	v2 =	vld [tilespmem:$0x3D0];
	_ =	sdelay $0x7  }
0xff: {  	[tilespmem:v2+s16+$0x0] =	vst.idx.add.f32.msk $0xffff, v1  }
0x100: {  	v2 =	vld [tilespmem:$0x3E0];
	_ =	sdelay $0x7  }
0x101: {  	[tilespmem:v2+s16+$0x0] =	vst.idx.add.f32.msk $0xffff, v1  }
0x102: {  	v2 =	vld [tilespmem:$0x3F0];
	_ =	sdelay $0x1  }
0x103: {  	s21 =	rddreg [dreg:$0x5]  }
0x104: {  	s9 =	sadd.s32 s14, s21;
	s14 =	sadd.s32 $0x80, s14  }
0x105: {  	p1 =	sne.s32 s14, $0x980  }
.Ltmp2:
0x106: {  	_ = 	snop;
	(pc) =	sbr.rel @p1 .LBB2_6-.Ltmp2, $3  }
0x107: {  	_ =	sdelay $0x1  }
0x108: {  	[tilespmem:v2+s16+$0x0] =	vst.idx.add.f32.msk $0xffff, v1  }
0x109: {  	[tilespmem:s5], [sflag:$0x2] =	stream.linear.gather [hbm4b:s9+s4], $0x100, $0x38;
	v63 =	vld [tilespmem:$0x0]  }
0x10a: {  	_ =	swait.ge [sflag:s29], $0x4000  }
0x10b: {  	[sflag:s29] =	ssyncset.done $0x0  }
0x10c: {  	[sflag:s29] =	ssyncadd.s32 $0xFFFFC000  }
0x10d: {  	_ =	swait.ge [sflag:s12], $0x100  }
0x10e: {  	[sflag:s12] =	ssyncset.done $0x0  }
0x10f: {  	[sflag:s12] =	ssyncadd.s32 $0xFFFFFF00  }
0x110: {  	[tilespmem:s13], [sflag:$0x6] =	stream.indirect.gather [hbm4b:s0+s7], $0x80, s5, s7, $0xb8;
	v63 =	vld [tilespmem:$0x0]  }
0x111: {  	_ =	swait.ge [sflag:s15], $0x4000  }
0x112: {  	[sflag:s15] =	ssyncset.done $0x0  }
0x113: {  	[sflag:s15] =	ssyncadd.s32 $0xFFFFC000  }
0x114: {  	[spmem:s3] =	stream.indirect.scatter.add.f32 [tilespmem:s8], [sflag:$0x7], $0x80, s7, s7, $0xb8;
	v63 =	vld [tilespmem:$0x0]  }
0x115: {  	v2 =	vld [tilespmem:$0x80];
	_ =	sdelay $0x7  }
0x116: {  	[tilespmem:v2+s16+$0x0] =	vst.idx.add.f32.msk $0xffff, v1  }
0x117: {  	v2 =	vld [tilespmem:$0x90];
	_ =	sdelay $0x7  }
0x118: {  	[tilespmem:v2+s16+$0x0] =	vst.idx.add.f32.msk $0xffff, v1  }
0x119: {  	v2 =	vld [tilespmem:$0xA0];
	_ =	sdelay $0x7  }
0x11a: {  	[tilespmem:v2+s16+$0x0] =	vst.idx.add.f32.msk $0xffff, v1  }
0x11b: {  	v2 =	vld [tilespmem:$0xB0];
	_ =	sdelay $0x7  }
0x11c: {  	[tilespmem:v2+s16+$0x0] =	vst.idx.add.f32.msk $0xffff, v1  }
0x11d: {  	v2 =	vld [tilespmem:$0xC0];
	_ =	sdelay $0x7  }
0x11e: {  	[tilespmem:v2+s16+$0x0] =	vst.idx.add.f32.msk $0xffff, v1  }
0x11f: {  	v2 =	vld [tilespmem:$0xD0];
	_ =	sdelay $0x7  }
0x120: {  	[tilespmem:v2+s16+$0x0] =	vst.idx.add.f32.msk $0xffff, v1  }
0x121: {  	v2 =	vld [tilespmem:$0xE0];
	_ =	sdelay $0x7  }
0x122: {  	[tilespmem:v2+s16+$0x0] =	vst.idx.add.f32.msk $0xffff, v1  }
0x123: {  	v2 =	vld [tilespmem:$0xF0];
	_ =	sdelay $0x7  }
0x124: {  	[tilespmem:v2+s16+$0x0] =	vst.idx.add.f32.msk $0xffff, v1  }
0x125: {  	_ =	swait.ge [sflag:s18], $0x4000  }
0x126: {  	[sflag:s18] =	ssyncset.done $0x0  }
0x127: {  	[sflag:s18] =	ssyncadd.s32 $0xFFFFC000  }
0x128: {  	_ =	swait.ge [sflag:s20], $0x4000  }
0x129: {  	[sflag:s20] =	ssyncset.done $0x0  }
0x12a: {  	[sflag:s20] =	ssyncadd.s32 $0xFFFFC000  }
0x12b: {  	[spmem:s3] =	stream.indirect.scatter.add.f32 [tilespmem:s13], [sflag:$0x8], $0x80, s26, s7, $0xb8;
	v63 =	vld [tilespmem:$0x0]  }
0x12c: {  	v2 =	vld [tilespmem:$0x180];
	_ =	sdelay $0x7  }
0x12d: {  	[tilespmem:v2+s16+$0x0] =	vst.idx.add.f32.msk $0xffff, v1  }
0x12e: {  	v2 =	vld [tilespmem:$0x190];
	_ =	sdelay $0x7  }
0x12f: {  	[tilespmem:v2+s16+$0x0] =	vst.idx.add.f32.msk $0xffff, v1  }
0x130: {  	v2 =	vld [tilespmem:$0x1A0];
	_ =	sdelay $0x7  }
0x131: {  	[tilespmem:v2+s16+$0x0] =	vst.idx.add.f32.msk $0xffff, v1  }
0x132: {  	v2 =	vld [tilespmem:$0x1B0];
	_ =	sdelay $0x7  }
0x133: {  	[tilespmem:v2+s16+$0x0] =	vst.idx.add.f32.msk $0xffff, v1  }
0x134: {  	v2 =	vld [tilespmem:$0x1C0];
	_ =	sdelay $0x7  }
0x135: {  	[tilespmem:v2+s16+$0x0] =	vst.idx.add.f32.msk $0xffff, v1  }
0x136: {  	v2 =	vld [tilespmem:$0x1D0];
	_ =	sdelay $0x7  }
0x137: {  	[tilespmem:v2+s16+$0x0] =	vst.idx.add.f32.msk $0xffff, v1  }
0x138: {  	v2 =	vld [tilespmem:$0x1E0];
	_ =	sdelay $0x7  }
0x139: {  	[tilespmem:v2+s16+$0x0] =	vst.idx.add.f32.msk $0xffff, v1  }
0x13a: {  	v2 =	vld [tilespmem:$0x1F0];
	_ =	sdelay $0x7  }
0x13b: {  	[tilespmem:v2+s16+$0x0] =	vst.idx.add.f32.msk $0xffff, v1  }
0x13c: {  	_ =	swait.ge [sflag:s29], $0x4000  }
0x13d: {  	[sflag:s29] =	ssyncset.done $0x0  }
0x13e: {  	s9 =	simm.s32 @!p0 $0x0;
	s14 =	rddreg [dreg:$0x8];
	[sflag:s29] =	ssyncadd.s32 $0xFFFFC000  }
0x13f: {  	[tilespmem:s9], [sflag:$0x1] =	stream.linear.gather @!p0 [hbm4b:s14+s9], $0x100, $0x38;
	v63 =	vld [tilespmem:$0x0]  }
0x140: {  	s14 =	simm.s32 @!p0 $0x1  }
0x141: {  	_ =	swait.ge @!p0 [sflag:s14], $0x100  }
0x142: {  	[sflag:s14] =	ssyncset.done @!p0 $0x0  }
0x143: {  	s21 =	simm.s32 @!p0 $0x400;
	[sflag:s14] =	ssyncadd.s32 @!p0 $0xFFFFFF00;
	s14 =	simm.s32 @!p0 $0x80  }
0x144: {  	[tilespmem:s21], [sflag:$0x5] =	stream.indirect.gather @!p0 [hbm4b:s0+s14], $0x80, s9, s14, $0xb8;
	v63 =	vld [tilespmem:$0x0]  }
0x145: {  	s9 =	simm.s32 @!p0 $0x5  }
0x146: {  	_ =	swait.ge @!p0 [sflag:s9], $0x4000  }
0x147: {  	[sflag:s9] =	ssyncset.done @!p0 $0x0  }
0x148: {  	[sflag:s9] =	ssyncadd.s32 @!p0 $0xFFFFC000  }
0x149: {  	[spmem:s3] =	stream.indirect.scatter.add.f32 @!p0 [tilespmem:s21], [sflag:$0x7], $0x80, s14, s14, $0xb8;
	v63 =	vld [tilespmem:$0x0]  }
0x14a: {  	v2 =	vld @!p0 [tilespmem:$0x80];
	_ =	sdelay $0x6  }
0x14b: {  	v3 =	vimm.f32 @!p0 $1.000000000e+00;
	s9 =	simm.s32 @!p0 $0x9800  }
0x14c: {  	[tilespmem:v2+s9+$0x0] =	vst.idx.add.f32.msk @!p0 $0xffff, v3  }
0x14d: {  	v2 =	vld @!p0 [tilespmem:$0x90];
	_ =	sdelay $0x7  }
0x14e: {  	[tilespmem:v2+s9+$0x0] =	vst.idx.add.f32.msk @!p0 $0xffff, v3  }
0x14f: {  	v2 =	vld @!p0 [tilespmem:$0xA0];
	_ =	sdelay $0x7  }
0x150: {  	[tilespmem:v2+s9+$0x0] =	vst.idx.add.f32.msk @!p0 $0xffff, v3  }
0x151: {  	v2 =	vld @!p0 [tilespmem:$0xB0];
	_ =	sdelay $0x7  }
0x152: {  	[tilespmem:v2+s9+$0x0] =	vst.idx.add.f32.msk @!p0 $0xffff, v3  }
0x153: {  	v2 =	vld @!p0 [tilespmem:$0xC0];
	_ =	sdelay $0x7  }
0x154: {  	[tilespmem:v2+s9+$0x0] =	vst.idx.add.f32.msk @!p0 $0xffff, v3  }
0x155: {  	v2 =	vld @!p0 [tilespmem:$0xD0];
	_ =	sdelay $0x7  }
0x156: {  	[tilespmem:v2+s9+$0x0] =	vst.idx.add.f32.msk @!p0 $0xffff, v3  }
0x157: {  	v2 =	vld @!p0 [tilespmem:$0xE0];
	_ =	sdelay $0x7  }
0x158: {  	[tilespmem:v2+s9+$0x0] =	vst.idx.add.f32.msk @!p0 $0xffff, v3  }
0x159: {  	v2 =	vld @!p0 [tilespmem:$0xF0];
	_ =	sdelay $0x7  }
0x15a: {  	[tilespmem:v2+s9+$0x0] =	vst.idx.add.f32.msk @!p0 $0xffff, v3;
	s9 =	simm.s32 @!p0 $0x7  }
0x15b: {  	_ =	swait.ge @!p0 [sflag:s9], $0x4000  }
0x15c: {  	[sflag:s9] =	ssyncset.done @!p0 $0x0  }
0x15d: {  	s1 =	simm.s32 $0xA;
	s14 =	rddreg [dreg:$0x9];
	[sflag:s9] =	ssyncadd.s32 @!p0 $0xFFFFC000  }
0x15e: {  	[hbm4b:s14+s7] =	stream.strided.scatter [tilespmem:s16], [sflag:$0xA], $0x2800, s8, s7, $0x38;
	v63 =	vld [tilespmem:$0x0]  }
0x15f: {  	_ =	swait.ge [sflag:s1], $0x2800  }
0x160: {  	[sflag:s1] =	ssyncset.done $0x0  }
0x161: {  	s21 =	stileid.u32;
	[sflag:s1] =	ssyncadd.s32 $0xFFFFD800  }
0x162: {  	s9 =	sshll.u32 s21, $0x6;
	[bflag:$0x0] =	sbarrier.arrive $0xFFFF  }
0x163: {  	s9 =	sor.u32 $0x1C09, s9;
	s1 =	sshrl.u32 s22, $0x3;
	s21 =	rddreg [dreg:$0xf]  }
0x164: {  	[hbm:s21], [sflag:s9] =	dma.local [spmem:s1], $0xA00  }
0x165: {  	s1 =	rddreg [dreg:$0xe]  }
0x166: {  	s21 =	rddreg [dreg:$0x10];
	s1 =	sshrl.u32 s1, $0x3  }
0x167: {  	[hbm:s21], [sflag:s9] =	dma.local [spmem:s1], $0xA00  }
0x168: {  	s1 =	rddreg [dreg:$0x15]  }
0x169: {  	s21 =	rddreg [dreg:$0x11];
	s1 =	sshrl.u32 s1, $0x3  }
0x16a: {  	[hbm:s21], [sflag:s9] =	dma.local [spmem:s1], $0xA00  }
0x16b: {  	s1 =	rddreg [dreg:$0x16]  }
0x16c: {  	s21 =	rddreg [dreg:$0x12];
	s1 =	sshrl.u32 s1, $0x3  }
0x16d: {  	[hbm:s21], [sflag:s9] =	dma.local [spmem:s1], $0xA00  }
0x16e: {  	_ =	swait.ge [sflag:s11], $0xA00  }
0x16f: {  	[sflag:s11] =	ssyncset.done $0x0  }
0x170: {  	[sflag:s11] =	ssyncadd.s32 $0xFFFFF600  }
0x171: {  	_ =	swait.ge [sflag:s11], $0xA00  }
0x172: {  	[sflag:s11] =	ssyncset.done $0x0  }
0x173: {  	[sflag:s11] =	ssyncadd.s32 $0xFFFFF600  }
0x174: {  	_ =	swait.ge [sflag:s11], $0xA00  }
0x175: {  	[sflag:s11] =	ssyncset.done $0x0  }
0x176: {  	[sflag:s11] =	ssyncadd.s32 $0xFFFFF600  }
0x177: {  	_ =	swait.ge [sflag:s11], $0xA00  }
0x178: {  	s14 =	rddreg [dreg:$0x1e]  }
0x179: {  	s21 =	rddreg [dreg:$0xa];
	s9 =	sadd.s32 $0x1, s14  }
0x17a: {  	p1 =	sne.s32 s9, s21  }
.Ltmp3:
0x17b: {  	_ = 	snop;
	(pc) =	sbr.rel @p1 .LBB2_1-.Ltmp3, $3  }
0x17c: {  	_ =	sdelay $0x1  }
0x17d: {  	[sflag:s11] =	ssyncset.done $0x0  }
0x17e: {  	[sflag:s11] =	ssyncadd.s32 $0xFFFFF600  }
0x17f: {  	_ =	sfence.sel $0x180000  }
0x180: {  	[bflag:$0x0] =	sbarrier.arrive $0xFFFF  }
0x181: {  	_ =	strace $0x90000047  }
0x182: {  	s0 =	stileid.u32;
	[bflag:$0x2] =	sbarrier.arrive $0xFFFF  }
0x183: {  	p0 =	sne.s32 s0, $0x0;
	s0 =	rddreg [dreg:$0x4]  }
0x184: {  	s0 =	sadd.s32 @!p0 $0x100000, s0  }
0x185: {  	[sflag:s0] =	ssyncadd.tile.s32 @!p0 $0x1;
	_ =	shalt  }
.Lfunc_end2:
_tile_overlayer_lowered:
.L_overlay_start_2:
0x186: {  	(tag) =	ssettag $0x2  }
0x187: {  	s0 =	rddreg [dreg:$0x0];
	s2 =	stileid.u32  }
0x188: {  	s1 =	rddreg [dreg:$0x1];
	p0 =	sne.s32 s2, $0x0  }
0x189: {  	s3 =	rddreg [dreg:$0x2];
	[bflag:$0x3] =	sbarrier.arrive $0xFFFF;
	s2 =	simm.s32 @!p0 $0x1C0A  }
0x18a: {  	[timem:s3], [sflag:s2] =	dma.local @!p0 [hbm:s0], s1  }
0x18b: {  	s0 =	simm.s32 @!p0 $0xA  }
0x18c: {  	_ =	swait.ge @!p0 [sflag:s0], s1  }
0x18d: {  	s1 =	ssub.s32 @!p0 $0x0, s1;
	[sflag:s0] =	ssyncset.done @!p0 $0x0  }
0x18e: {  	[sflag:s0] =	ssyncadd.s32 @!p0 s1  }
0x18f: {  	[bflag:$0x3] =	sbarrier.arrive $0xFFFF  }
0x190: {  	_ =	shalt  }

</sc_bundles>
